<compile_context>
chip_gen: v7x
topology: tpu7x:2x2x1
jax: 0.10.2.dev20260603
libtpu: 0.0.44.dev20260713+nightly
codegen_flags: <defaults>
</compile_context>

<pallas_src>
import functools

import jax
import jax.numpy as jnp
from jax import lax
from jax.experimental import pallas as pl
from jax.experimental.pallas import tpu as pltpu
from jax.experimental.pallas import tpu_sc as plsc

N_EXP = 8
N_EMBD = 1024
NUM_TOKENS = 4096
CAPACITY = 512
ROW = N_EXP * CAPACITY
TB = 512
DROP = 1 << 30

NC, NS = 2, 16
NW = NC * NS
TOK_PER_W = NUM_TOKENS // NW
CHUNK = 16


def _router_body(x_ref, w_ref, uc_ref, t_ref, mask_ref, counts_ref):
    i = pl.program_id(0)

    @pl.when(i == 0)
    def _init():
        counts_ref[...] = jnp.zeros((1, N_EXP), jnp.int32)

    xb = x_ref[...]
    w = w_ref[...]
    logits = jax.lax.dot_general(
        xb, w, (((1,), (1,)), ((), ())),
        preferred_element_type=jnp.float32)

    e_idx = jax.lax.broadcasted_iota(jnp.int32, (TB, N_EXP), 1)
    row_max = jnp.max(logits, axis=1, keepdims=True)
    is_max = logits == row_max
    experts = jnp.min(jnp.where(is_max, e_idx, N_EXP), axis=1,
                      keepdims=True)
    oh = (e_idx == experts).astype(jnp.float32)
    r_i = jax.lax.broadcasted_iota(jnp.int32, (TB, TB), 0)
    c_i = jax.lax.broadcasted_iota(jnp.int32, (TB, TB), 1)
    tri = (r_i > c_i).astype(jnp.float32)
    excl_f = jax.lax.dot_general(
        tri, oh, (((1,), (0,)), ((), ())),
        preferred_element_type=jnp.float32)
    excl = excl_f.astype(jnp.int32)
    base = counts_ref[...]
    ohi = oh.astype(jnp.int32)
    slots = jnp.sum(jnp.where(ohi == 1, excl + base, 0), axis=1,
                    keepdims=True)
    counts_ref[...] = base + jnp.sum(ohi, axis=0, keepdims=True)

    valid = slots < CAPACITY
    t_ref[...] = jnp.where(valid, experts * CAPACITY + slots, DROP)

    s_iota = jax.lax.broadcasted_iota(jnp.int32, (TB, CAPACITY), 1)
    hit_c = (s_iota == slots) & valid
    for e in range(N_EXP):
        mask_ref[:, e, :] = hit_c & (experts == e)

    @pl.when(i == pl.num_programs(0) - 1)
    def _fin():
        uc_ref[...] = jnp.minimum(counts_ref[...], CAPACITY)


def _run_router(x, w_g, interpret=False):
    return pl.pallas_call(
        _router_body,
        grid=(NUM_TOKENS // TB,),
        in_specs=[
            pl.BlockSpec((TB, N_EMBD), lambda i: (i, 0)),
            pl.BlockSpec((N_EXP, N_EMBD), lambda i: (0, 0)),
        ],
        out_specs=[
            pl.BlockSpec((1, N_EXP), lambda i: (0, 0)),
            pl.BlockSpec((TB, 1), lambda i: (i, 0)),
            pl.BlockSpec((TB, N_EXP, CAPACITY), lambda i: (i, 0, 0)),
        ],
        out_shape=[
            jax.ShapeDtypeStruct((1, N_EXP), jnp.int32),
            jax.ShapeDtypeStruct((NUM_TOKENS, 1), jnp.int32),
            jax.ShapeDtypeStruct((NUM_TOKENS, N_EXP, CAPACITY), jnp.bool_),
        ],
        scratch_shapes=[pltpu.VMEM((1, N_EXP), jnp.int32)],
        compiler_params=pltpu.CompilerParams(
            dimension_semantics=("arbitrary",)),
        interpret=interpret,
    )(x, w_g)


def _cb_body(target_hbm, out_hbm, tv, buf):
    wid = lax.axis_index("s") * NC + lax.axis_index("c")
    base_tok = wid * TOK_PER_W
    pltpu.sync_copy(target_hbm.at[pl.ds(base_tok, TOK_PER_W)], tv)

    zeros16 = jnp.zeros((16,), jnp.float32)

    def zbody(j, carry):
        t = jax.lax.shift_right_logical(j, 8)
        e = jax.lax.shift_right_logical(j, 5) & 7
        s = (j & 31) * 16
        buf[t, e, pl.ds(s, 16)] = zeros16
        return carry

    lax.fori_loop(0, CHUNK * ROW // 16, zbody, 0)

    lane = lax.iota(jnp.int32, 16)
    ones = jnp.ones((16,), jnp.float32)
    for c in range(TOK_PER_W // CHUNK):
        t = tv[pl.ds(c * CHUNK, 16)]
        valid = t < ROW
        t = jnp.where(valid, t, 0)
        e = jax.lax.shift_right_logical(t, 9)
        s = t & (CAPACITY - 1)
        plsc.store_scatter(buf, [lane, e, s], ones, mask=valid)
        pltpu.sync_copy(
            buf, out_hbm.at[pl.ds(base_tok + c * CHUNK, CHUNK)])
        plsc.store_scatter(buf, [lane, e, s], zeros16, mask=valid)


@functools.cache
def _cb_kernel():
    return pl.kernel(
        _cb_body,
        out_type=jax.ShapeDtypeStruct((NUM_TOKENS, N_EXP, CAPACITY),
                                      jnp.float32),
        mesh=plsc.VectorSubcoreMesh(core_axis_name="c", subcore_axis_name="s",
                                    num_cores=NC, num_subcores=NS),
        scratch_types=[
            pltpu.VMEM((TOK_PER_W,), jnp.int32),
            pltpu.VMEM((CHUNK, N_EXP, CAPACITY), jnp.float32),
        ],
        compiler_params=pltpu.CompilerParams(needs_layout_passes=False),
    )


def kernel(x, w_g):
    uc, target, mask = _run_router(x, w_g)
    cb = _cb_kernel()(target.reshape(NUM_TOKENS))
    return (uc.reshape(N_EXP), cb, mask)

# --- scband reference (transcript-rebuilt; emitter-appended) ---
"""Pipeline reference for scband-router-9680856285359 (READ-ONLY COPY).

The authoritative reference and input builder live on the scoring server;
editing this copy changes nothing except your own understanding.
"""

import jax, jax.numpy as jnp
import numpy as np
import math

N_EXP = 8
TOP_K = 1
N_EMBD = 1024
NUM_TOKENS = 4096
CAPACITY_FACTOR = 1.0  # eval_capacity == train_capacity == 1.0
MIN_CAPACITY = 4


def get_capacity(num_tokens):
    capacity = math.floor(TOP_K * CAPACITY_FACTOR * num_tokens / N_EXP)
    capacity += capacity % 2
    capacity = max(capacity, MIN_CAPACITY)
    return int(capacity)


def setup_inputs(seed: int = 0) -> dict:
    key = jax.random.key(seed)
    k1, k2 = jax.random.split(key)
    x = jax.random.normal(k1, (NUM_TOKENS, N_EMBD), dtype=jnp.float32)
    # w_g: nn.Linear(n_embd, n_experts, bias=False) weight, shape [n_experts, n_embd]
    w_g = jax.random.normal(k2, (N_EXP, N_EMBD), dtype=jnp.float32) * 0.02
    return {"x": x, "w_g": w_g}


def reference(x, w_g):
    num_tokens = x.shape[0]
    capacity = get_capacity(num_tokens)

    # router logits
    logits = x @ w_g.T  # [N, E]

    # top-k selection
    top_k_logits, top_k_indices = jax.lax.top_k(logits, TOP_K)  # [N, K]

    # router_probs: -inf everywhere except top-k logits, then softmax
    row = jnp.arange(num_tokens)[:, None]
    masked = jnp.full_like(logits, -jnp.inf).at[row, top_k_indices].set(top_k_logits)
    router_probs = jax.nn.softmax(masked, axis=-1)  # [N, E]

    # greedy capacity-constrained slot assignment, in row-major (token, k) order
    flat_experts = top_k_indices.reshape(-1)  # [N*K]
    token_ids = jnp.repeat(jnp.arange(num_tokens), TOP_K)  # [N*K]
    one_hot = jax.nn.one_hot(flat_experts, N_EXP, dtype=jnp.int32)  # [N*K, E]
    prior = jnp.cumsum(one_hot, axis=0) - one_hot  # exclusive cumsum = slot index
    slots = jnp.take_along_axis(prior, flat_experts[:, None], axis=1).squeeze(1)  # [N*K]

    counts = one_hot.sum(axis=0)  # total assignments per expert
    used_capacity = jnp.minimum(counts, capacity).astype(jnp.int32)  # [E]

    weights = router_probs[token_ids, flat_experts]  # [N*K]

    # assignments with slot >= capacity are dropped (out-of-bounds -> mode='drop')
    cb_weight = jnp.zeros((num_tokens, N_EXP, capacity), dtype=x.dtype).at[
        token_ids, flat_experts, slots
    ].set(weights, mode='drop')
    sec_mask = jnp.zeros((num_tokens, N_EXP, capacity), dtype=bool).at[
        token_ids, flat_experts, slots
    ].set(True, mode='drop')

    return (used_capacity, cb_weight, sec_mask)

if __name__ == "__main__":
    import jax
    _d = setup_inputs()
    print(jax.jit(kernel)(*tuple(_d.values())))

</pallas_src>

<mosaic_0001>
#map = affine_map<(d0, d1) -> (0)>
#map1 = affine_map<(d0, d1) -> (0, 0, 0)>
module attributes {stable_mosaic.version = 14 : i64} {
  func.func @_cb_body(%arg0: i32, %arg1: i32, %arg2: memref<4096xi32, #tpu.memory_space<hbm>>, %arg3: memref<4096x8x512xf32, #tpu.memory_space<hbm>>, %arg4: memref<128xi32, #tpu.memory_space<vmem>>, %arg5: memref<16x8x512xf32, #tpu.memory_space<vmem>>) attributes {dimension_semantics = [#tpu.dimension_semantics<core_parallel>, #tpu.dimension_semantics<subcore_parallel>], iteration_bounds = array<i64: 2, 16>, scalar_prefetch = 0 : i64, scratch_operands = 2 : i64, tpu.core_type = #tpu.core_type<sc_vector_subcore>, window_params = [{transform_indices = #map}, {transform_indices = #map1}]} {
    %mul3A = arith.constant 2 : i32
    %mul3A_0 = arith.muli %arg1, %mul3A : i32
    %add3A = arith.addi %mul3A_0, %arg0 : i32
    %mul3A_1 = arith.constant 128 : i32
    %mul3A_2 = arith.muli %add3A, %mul3A_1 : i32
    "tpu.region"() ({
      %run_scoped3A = tpu.sem_alloc : memref<!tpu.dma_semaphore, #tpu.memory_space<semaphore_mem>>
      %dma_start3A = tpu.memref_slice %arg2[%mul3A_2] : memref<4096xi32, #tpu.memory_space<hbm>> -> memref<128xi32, #tpu.memory_space<hbm>>
      %dma_start3A_133 = tpu.memref_slice %arg2[%mul3A_2] : memref<4096xi32, #tpu.memory_space<hbm>> -> memref<128xi32, #tpu.memory_space<hbm>>
      tpu.enqueue_dma source(%dma_start3A_133 : memref<128xi32, #tpu.memory_space<hbm>>) target(%arg4 : memref<128xi32, #tpu.memory_space<vmem>>) target_semaphore(%run_scoped3A : memref<!tpu.dma_semaphore, #tpu.memory_space<semaphore_mem>>)
      %dma_wait3A = tpu.memref_slice %arg2[%mul3A_2] : memref<4096xi32, #tpu.memory_space<hbm>> -> memref<128xi32, #tpu.memory_space<hbm>>
      %dma_wait3A_134 = tpu.memref_slice %arg2[%mul3A_2] : memref<4096xi32, #tpu.memory_space<hbm>> -> memref<128xi32, #tpu.memory_space<hbm>>
      tpu.wait_dma2 semaphore(%run_scoped3A : memref<!tpu.dma_semaphore, #tpu.memory_space<semaphore_mem>>) src(%dma_wait3A_134 : memref<128xi32, #tpu.memory_space<hbm>>) dst(%arg4 : memref<128xi32, #tpu.memory_space<vmem>>)
      tpu.yield
    }) : () -> ()
    %broadcast_in_dim3A = arith.constant 0.000000e+00 : f32
    %broadcast_in_dim3A_3 = vector.broadcast %broadcast_in_dim3A : f32 to vector<16xf32>
    %scan3A = arith.constant 0 : i32
    %scan3A_4 = arith.constant 0 : i32
    %scan3A_5 = arith.constant 4096 : i32
    %scan3A_6 = arith.addi %scan3A_4, %scan3A_5 : i32
    %scan3A_7 = arith.constant 1 : i32
    scf.for %scan3A_133 = %scan3A_4 to %scan3A_6 step %scan3A_7  : i32 {
      %shift_right_logical3A_134 = arith.constant 8 : i32
      %shift_right_logical3A_135 = arith.shrui %scan3A_133, %shift_right_logical3A_134 : i32
      %shift_right_logical3A_136 = arith.constant 5 : i32
      %shift_right_logical3A_137 = arith.shrui %scan3A_133, %shift_right_logical3A_136 : i32
      %and3A_138 = arith.constant 7 : i32
      %and3A_139 = arith.andi %shift_right_logical3A_137, %and3A_138 : i32
      %and3A_140 = arith.constant 31 : i32
      %and3A_141 = arith.andi %scan3A_133, %and3A_140 : i32
      %mul3A_142 = arith.constant 16 : i32
      %mul3A_143 = arith.muli %and3A_141, %mul3A_142 : i32
      %swap3A = arith.index_cast %shift_right_logical3A_135 : i32 to index
      %swap3A_144 = arith.index_cast %and3A_139 : i32 to index
      %swap3A_145 = arith.index_cast %mul3A_143 : i32 to index
      %swap3A_146 = tpu.vector_load %arg5[%swap3A, %swap3A_144, %swap3A_145] {strides = array<i32>} : memref<16x8x512xf32, #tpu.memory_space<vmem>>, vector<16xf32>,
      tpu.vector_store %arg5[%swap3A, %swap3A_144, %swap3A_145], %broadcast_in_dim3A_3 {strides = array<i32>} : memref<16x8x512xf32, #tpu.memory_space<vmem>>, vector<16xf32>,
    }
    %scan3A_8 = arith.constant 4096 : i32
    %iota3A = tpu.iota {dimensions = array<i32: 0>} : vector<16xi32>
    %broadcast_in_dim3A_9 = arith.constant 1.000000e+00 : f32
    %broadcast_in_dim3A_10 = vector.broadcast %broadcast_in_dim3A_9 : f32 to vector<16xf32>
    %get3A = arith.constant 0 : index
    %get3A_11 = tpu.vector_load %arg4[%get3A] {strides = array<i32>} : memref<128xi32, #tpu.memory_space<vmem>>, vector<16xi32>,
    %lt3A = arith.constant 4096 : i32
    %lt3A_12 = vector.broadcast %lt3A : i32 to vector<16xi32>
    %lt3A_13 = arith.cmpi slt, %get3A_11, %lt3A_12 : vector<16xi32>
    %jit3A = arith.constant 0 : i32
    %broadcast_in_dim3A_14 = vector.broadcast %jit3A : i32 to vector<16xi32>
    %select_n3A = arith.select %lt3A_13, %get3A_11, %broadcast_in_dim3A_14 : vector<16xi1>, vector<16xi32>
    %shift_right_logical3A = arith.constant 9 : i32
    %shift_right_logical3A_15 = vector.broadcast %shift_right_logical3A : i32 to vector<16xi32>
    %shift_right_logical3A_16 = arith.shrui %select_n3A, %shift_right_logical3A_15 : vector<16xi32>
    %and3A = arith.constant 511 : i32
    %and3A_17 = vector.broadcast %and3A : i32 to vector<16xi32>
    %and3A_18 = arith.andi %select_n3A, %and3A_17 : vector<16xi32>
    tpu.vector_store_idx %arg5[%iota3A, %shift_right_logical3A_16, %and3A_18], %broadcast_in_dim3A_10 masked %lt3A_13 : memref<16x8x512xf32, #tpu.memory_space<vmem>>[vector<16xi32>, vector<16xi32>, vector<16xi32>], vector<16xf32>, vector<16xi1>
    %add3A_19 = arith.constant 0 : i32
    %add3A_20 = arith.addi %mul3A_2, %add3A_19 : i32
    "tpu.region"() ({
      %run_scoped3A = tpu.sem_alloc : memref<!tpu.dma_semaphore, #tpu.memory_space<semaphore_mem>>
      %dma_start3A = arith.constant 0 : i32
      %dma_start3A_133 = arith.constant 0 : i32
      %dma_start3A_134 = tpu.memref_slice %arg3[%add3A_20, %dma_start3A, %dma_start3A_133] : memref<4096x8x512xf32, #tpu.memory_space<hbm>> -> memref<16x8x512xf32, #tpu.memory_space<hbm>>
      %dma_start3A_135 = arith.constant 0 : i32
      %dma_start3A_136 = arith.constant 0 : i32
      %dma_start3A_137 = tpu.memref_slice %arg3[%add3A_20, %dma_start3A_135, %dma_start3A_136] : memref<4096x8x512xf32, #tpu.memory_space<hbm>> -> memref<16x8x512xf32, #tpu.memory_space<hbm>>
      tpu.enqueue_dma source(%arg5 : memref<16x8x512xf32, #tpu.memory_space<vmem>>) target(%dma_start3A_137 : memref<16x8x512xf32, #tpu.memory_space<hbm>>) target_semaphore(%run_scoped3A : memref<!tpu.dma_semaphore, #tpu.memory_space<semaphore_mem>>)
      %dma_wait3A = arith.constant 0 : i32
      %dma_wait3A_138 = arith.constant 0 : i32
      %dma_wait3A_139 = tpu.memref_slice %arg3[%add3A_20, %dma_wait3A, %dma_wait3A_138] : memref<4096x8x512xf32, #tpu.memory_space<hbm>> -> memref<16x8x512xf32, #tpu.memory_space<hbm>>
      %dma_wait3A_140 = arith.constant 0 : i32
      %dma_wait3A_141 = arith.constant 0 : i32
      %dma_wait3A_142 = tpu.memref_slice %arg3[%add3A_20, %dma_wait3A_140, %dma_wait3A_141] : memref<4096x8x512xf32, #tpu.memory_space<hbm>> -> memref<16x8x512xf32, #tpu.memory_space<hbm>>
      tpu.wait_dma2 semaphore(%run_scoped3A : memref<!tpu.dma_semaphore, #tpu.memory_space<semaphore_mem>>) src(%arg5 : memref<16x8x512xf32, #tpu.memory_space<vmem>>) dst(%dma_wait3A_142 : memref<16x8x512xf32, #tpu.memory_space<hbm>>)
      tpu.yield
    }) : () -> ()
    tpu.vector_store_idx %arg5[%iota3A, %shift_right_logical3A_16, %and3A_18], %broadcast_in_dim3A_3 masked %lt3A_13 : memref<16x8x512xf32, #tpu.memory_space<vmem>>[vector<16xi32>, vector<16xi32>, vector<16xi32>], vector<16xf32>, vector<16xi1>
    %get3A_21 = arith.constant 16 : index
    %get3A_22 = tpu.vector_load %arg4[%get3A_21] {strides = array<i32>} : memref<128xi32, #tpu.memory_space<vmem>>, vector<16xi32>,
    %lt3A_23 = arith.constant 4096 : i32
    %lt3A_24 = vector.broadcast %lt3A_23 : i32 to vector<16xi32>
    %lt3A_25 = arith.cmpi slt, %get3A_22, %lt3A_24 : vector<16xi32>
    %jit3A_26 = arith.constant 0 : i32
    %broadcast_in_dim3A_27 = vector.broadcast %jit3A_26 : i32 to vector<16xi32>
    %select_n3A_28 = arith.select %lt3A_25, %get3A_22, %broadcast_in_dim3A_27 : vector<16xi1>, vector<16xi32>
    %shift_right_logical3A_29 = arith.constant 9 : i32
    %shift_right_logical3A_30 = vector.broadcast %shift_right_logical3A_29 : i32 to vector<16xi32>
    %shift_right_logical3A_31 = arith.shrui %select_n3A_28, %shift_right_logical3A_30 : vector<16xi32>
    %and3A_32 = arith.constant 511 : i32
    %and3A_33 = vector.broadcast %and3A_32 : i32 to vector<16xi32>
    %and3A_34 = arith.andi %select_n3A_28, %and3A_33 : vector<16xi32>
    tpu.vector_store_idx %arg5[%iota3A, %shift_right_logical3A_31, %and3A_34], %broadcast_in_dim3A_10 masked %lt3A_25 : memref<16x8x512xf32, #tpu.memory_space<vmem>>[vector<16xi32>, vector<16xi32>, vector<16xi32>], vector<16xf32>, vector<16xi1>
    %add3A_35 = arith.constant 16 : i32
    %add3A_36 = arith.addi %mul3A_2, %add3A_35 : i32
    "tpu.region"() ({
      %run_scoped3A = tpu.sem_alloc : memref<!tpu.dma_semaphore, #tpu.memory_space<semaphore_mem>>
      %dma_start3A = arith.constant 0 : i32
      %dma_start3A_133 = arith.constant 0 : i32
      %dma_start3A_134 = tpu.memref_slice %arg3[%add3A_36, %dma_start3A, %dma_start3A_133] : memref<4096x8x512xf32, #tpu.memory_space<hbm>> -> memref<16x8x512xf32, #tpu.memory_space<hbm>>
      %dma_start3A_135 = arith.constant 0 : i32
      %dma_start3A_136 = arith.constant 0 : i32
      %dma_start3A_137 = tpu.memref_slice %arg3[%add3A_36, %dma_start3A_135, %dma_start3A_136] : memref<4096x8x512xf32, #tpu.memory_space<hbm>> -> memref<16x8x512xf32, #tpu.memory_space<hbm>>
      tpu.enqueue_dma source(%arg5 : memref<16x8x512xf32, #tpu.memory_space<vmem>>) target(%dma_start3A_137 : memref<16x8x512xf32, #tpu.memory_space<hbm>>) target_semaphore(%run_scoped3A : memref<!tpu.dma_semaphore, #tpu.memory_space<semaphore_mem>>)
      %dma_wait3A = arith.constant 0 : i32
      %dma_wait3A_138 = arith.constant 0 : i32
      %dma_wait3A_139 = tpu.memref_slice %arg3[%add3A_36, %dma_wait3A, %dma_wait3A_138] : memref<4096x8x512xf32, #tpu.memory_space<hbm>> -> memref<16x8x512xf32, #tpu.memory_space<hbm>>
      %dma_wait3A_140 = arith.constant 0 : i32
      %dma_wait3A_141 = arith.constant 0 : i32
      %dma_wait3A_142 = tpu.memref_slice %arg3[%add3A_36, %dma_wait3A_140, %dma_wait3A_141] : memref<4096x8x512xf32, #tpu.memory_space<hbm>> -> memref<16x8x512xf32, #tpu.memory_space<hbm>>
      tpu.wait_dma2 semaphore(%run_scoped3A : memref<!tpu.dma_semaphore, #tpu.memory_space<semaphore_mem>>) src(%arg5 : memref<16x8x512xf32, #tpu.memory_space<vmem>>) dst(%dma_wait3A_142 : memref<16x8x512xf32, #tpu.memory_space<hbm>>)
      tpu.yield
    }) : () -> ()
    tpu.vector_store_idx %arg5[%iota3A, %shift_right_logical3A_31, %and3A_34], %broadcast_in_dim3A_3 masked %lt3A_25 : memref<16x8x512xf32, #tpu.memory_space<vmem>>[vector<16xi32>, vector<16xi32>, vector<16xi32>], vector<16xf32>, vector<16xi1>
    %get3A_37 = arith.constant 32 : index
    %get3A_38 = tpu.vector_load %arg4[%get3A_37] {strides = array<i32>} : memref<128xi32, #tpu.memory_space<vmem>>, vector<16xi32>,
    %lt3A_39 = arith.constant 4096 : i32
    %lt3A_40 = vector.broadcast %lt3A_39 : i32 to vector<16xi32>
    %lt3A_41 = arith.cmpi slt, %get3A_38, %lt3A_40 : vector<16xi32>
    %jit3A_42 = arith.constant 0 : i32
    %broadcast_in_dim3A_43 = vector.broadcast %jit3A_42 : i32 to vector<16xi32>
    %select_n3A_44 = arith.select %lt3A_41, %get3A_38, %broadcast_in_dim3A_43 : vector<16xi1>, vector<16xi32>
    %shift_right_logical3A_45 = arith.constant 9 : i32
    %shift_right_logical3A_46 = vector.broadcast %shift_right_logical3A_45 : i32 to vector<16xi32>
    %shift_right_logical3A_47 = arith.shrui %select_n3A_44, %shift_right_logical3A_46 : vector<16xi32>
    %and3A_48 = arith.constant 511 : i32
    %and3A_49 = vector.broadcast %and3A_48 : i32 to vector<16xi32>
    %and3A_50 = arith.andi %select_n3A_44, %and3A_49 : vector<16xi32>
    tpu.vector_store_idx %arg5[%iota3A, %shift_right_logical3A_47, %and3A_50], %broadcast_in_dim3A_10 masked %lt3A_41 : memref<16x8x512xf32, #tpu.memory_space<vmem>>[vector<16xi32>, vector<16xi32>, vector<16xi32>], vector<16xf32>, vector<16xi1>
    %add3A_51 = arith.constant 32 : i32
    %add3A_52 = arith.addi %mul3A_2, %add3A_51 : i32
    "tpu.region"() ({
      %run_scoped3A = tpu.sem_alloc : memref<!tpu.dma_semaphore, #tpu.memory_space<semaphore_mem>>
      %dma_start3A = arith.constant 0 : i32
      %dma_start3A_133 = arith.constant 0 : i32
      %dma_start3A_134 = tpu.memref_slice %arg3[%add3A_52, %dma_start3A, %dma_start3A_133] : memref<4096x8x512xf32, #tpu.memory_space<hbm>> -> memref<16x8x512xf32, #tpu.memory_space<hbm>>
      %dma_start3A_135 = arith.constant 0 : i32
      %dma_start3A_136 = arith.constant 0 : i32
      %dma_start3A_137 = tpu.memref_slice %arg3[%add3A_52, %dma_start3A_135, %dma_start3A_136] : memref<4096x8x512xf32, #tpu.memory_space<hbm>> -> memref<16x8x512xf32, #tpu.memory_space<hbm>>
      tpu.enqueue_dma source(%arg5 : memref<16x8x512xf32, #tpu.memory_space<vmem>>) target(%dma_start3A_137 : memref<16x8x512xf32, #tpu.memory_space<hbm>>) target_semaphore(%run_scoped3A : memref<!tpu.dma_semaphore, #tpu.memory_space<semaphore_mem>>)
      %dma_wait3A = arith.constant 0 : i32
      %dma_wait3A_138 = arith.constant 0 : i32
      %dma_wait3A_139 = tpu.memref_slice %arg3[%add3A_52, %dma_wait3A, %dma_wait3A_138] : memref<4096x8x512xf32, #tpu.memory_space<hbm>> -> memref<16x8x512xf32, #tpu.memory_space<hbm>>
      %dma_wait3A_140 = arith.constant 0 : i32
      %dma_wait3A_141 = arith.constant 0 : i32
      %dma_wait3A_142 = tpu.memref_slice %arg3[%add3A_52, %dma_wait3A_140, %dma_wait3A_141] : memref<4096x8x512xf32, #tpu.memory_space<hbm>> -> memref<16x8x512xf32, #tpu.memory_space<hbm>>
      tpu.wait_dma2 semaphore(%run_scoped3A : memref<!tpu.dma_semaphore, #tpu.memory_space<semaphore_mem>>) src(%arg5 : memref<16x8x512xf32, #tpu.memory_space<vmem>>) dst(%dma_wait3A_142 : memref<16x8x512xf32, #tpu.memory_space<hbm>>)
      tpu.yield
    }) : () -> ()
    tpu.vector_store_idx %arg5[%iota3A, %shift_right_logical3A_47, %and3A_50], %broadcast_in_dim3A_3 masked %lt3A_41 : memref<16x8x512xf32, #tpu.memory_space<vmem>>[vector<16xi32>, vector<16xi32>, vector<16xi32>], vector<16xf32>, vector<16xi1>
    %get3A_53 = arith.constant 48 : index
    %get3A_54 = tpu.vector_load %arg4[%get3A_53] {strides = array<i32>} : memref<128xi32, #tpu.memory_space<vmem>>, vector<16xi32>,
    %lt3A_55 = arith.constant 4096 : i32
    %lt3A_56 = vector.broadcast %lt3A_55 : i32 to vector<16xi32>
    %lt3A_57 = arith.cmpi slt, %get3A_54, %lt3A_56 : vector<16xi32>
    %jit3A_58 = arith.constant 0 : i32
    %broadcast_in_dim3A_59 = vector.broadcast %jit3A_58 : i32 to vector<16xi32>
    %select_n3A_60 = arith.select %lt3A_57, %get3A_54, %broadcast_in_dim3A_59 : vector<16xi1>, vector<16xi32>
    %shift_right_logical3A_61 = arith.constant 9 : i32
    %shift_right_logical3A_62 = vector.broadcast %shift_right_logical3A_61 : i32 to vector<16xi32>
    %shift_right_logical3A_63 = arith.shrui %select_n3A_60, %shift_right_logical3A_62 : vector<16xi32>
    %and3A_64 = arith.constant 511 : i32
    %and3A_65 = vector.broadcast %and3A_64 : i32 to vector<16xi32>
    %and3A_66 = arith.andi %select_n3A_60, %and3A_65 : vector<16xi32>
    tpu.vector_store_idx %arg5[%iota3A, %shift_right_logical3A_63, %and3A_66], %broadcast_in_dim3A_10 masked %lt3A_57 : memref<16x8x512xf32, #tpu.memory_space<vmem>>[vector<16xi32>, vector<16xi32>, vector<16xi32>], vector<16xf32>, vector<16xi1>
    %add3A_67 = arith.constant 48 : i32
    %add3A_68 = arith.addi %mul3A_2, %add3A_67 : i32
    "tpu.region"() ({
      %run_scoped3A = tpu.sem_alloc : memref<!tpu.dma_semaphore, #tpu.memory_space<semaphore_mem>>
      %dma_start3A = arith.constant 0 : i32
      %dma_start3A_133 = arith.constant 0 : i32
      %dma_start3A_134 = tpu.memref_slice %arg3[%add3A_68, %dma_start3A, %dma_start3A_133] : memref<4096x8x512xf32, #tpu.memory_space<hbm>> -> memref<16x8x512xf32, #tpu.memory_space<hbm>>
      %dma_start3A_135 = arith.constant 0 : i32
      %dma_start3A_136 = arith.constant 0 : i32
      %dma_start3A_137 = tpu.memref_slice %arg3[%add3A_68, %dma_start3A_135, %dma_start3A_136] : memref<4096x8x512xf32, #tpu.memory_space<hbm>> -> memref<16x8x512xf32, #tpu.memory_space<hbm>>
      tpu.enqueue_dma source(%arg5 : memref<16x8x512xf32, #tpu.memory_space<vmem>>) target(%dma_start3A_137 : memref<16x8x512xf32, #tpu.memory_space<hbm>>) target_semaphore(%run_scoped3A : memref<!tpu.dma_semaphore, #tpu.memory_space<semaphore_mem>>)
      %dma_wait3A = arith.constant 0 : i32
      %dma_wait3A_138 = arith.constant 0 : i32
      %dma_wait3A_139 = tpu.memref_slice %arg3[%add3A_68, %dma_wait3A, %dma_wait3A_138] : memref<4096x8x512xf32, #tpu.memory_space<hbm>> -> memref<16x8x512xf32, #tpu.memory_space<hbm>>
      %dma_wait3A_140 = arith.constant 0 : i32
      %dma_wait3A_141 = arith.constant 0 : i32
      %dma_wait3A_142 = tpu.memref_slice %arg3[%add3A_68, %dma_wait3A_140, %dma_wait3A_141] : memref<4096x8x512xf32, #tpu.memory_space<hbm>> -> memref<16x8x512xf32, #tpu.memory_space<hbm>>
      tpu.wait_dma2 semaphore(%run_scoped3A : memref<!tpu.dma_semaphore, #tpu.memory_space<semaphore_mem>>) src(%arg5 : memref<16x8x512xf32, #tpu.memory_space<vmem>>) dst(%dma_wait3A_142 : memref<16x8x512xf32, #tpu.memory_space<hbm>>)
      tpu.yield
    }) : () -> ()
    tpu.vector_store_idx %arg5[%iota3A, %shift_right_logical3A_63, %and3A_66], %broadcast_in_dim3A_3 masked %lt3A_57 : memref<16x8x512xf32, #tpu.memory_space<vmem>>[vector<16xi32>, vector<16xi32>, vector<16xi32>], vector<16xf32>, vector<16xi1>
    %get3A_69 = arith.constant 64 : index
    %get3A_70 = tpu.vector_load %arg4[%get3A_69] {strides = array<i32>} : memref<128xi32, #tpu.memory_space<vmem>>, vector<16xi32>,
    %lt3A_71 = arith.constant 4096 : i32
    %lt3A_72 = vector.broadcast %lt3A_71 : i32 to vector<16xi32>
    %lt3A_73 = arith.cmpi slt, %get3A_70, %lt3A_72 : vector<16xi32>
    %jit3A_74 = arith.constant 0 : i32
    %broadcast_in_dim3A_75 = vector.broadcast %jit3A_74 : i32 to vector<16xi32>
    %select_n3A_76 = arith.select %lt3A_73, %get3A_70, %broadcast_in_dim3A_75 : vector<16xi1>, vector<16xi32>
    %shift_right_logical3A_77 = arith.constant 9 : i32
    %shift_right_logical3A_78 = vector.broadcast %shift_right_logical3A_77 : i32 to vector<16xi32>
    %shift_right_logical3A_79 = arith.shrui %select_n3A_76, %shift_right_logical3A_78 : vector<16xi32>
    %and3A_80 = arith.constant 511 : i32
    %and3A_81 = vector.broadcast %and3A_80 : i32 to vector<16xi32>
    %and3A_82 = arith.andi %select_n3A_76, %and3A_81 : vector<16xi32>
    tpu.vector_store_idx %arg5[%iota3A, %shift_right_logical3A_79, %and3A_82], %broadcast_in_dim3A_10 masked %lt3A_73 : memref<16x8x512xf32, #tpu.memory_space<vmem>>[vector<16xi32>, vector<16xi32>, vector<16xi32>], vector<16xf32>, vector<16xi1>
    %add3A_83 = arith.constant 64 : i32
    %add3A_84 = arith.addi %mul3A_2, %add3A_83 : i32
    "tpu.region"() ({
      %run_scoped3A = tpu.sem_alloc : memref<!tpu.dma_semaphore, #tpu.memory_space<semaphore_mem>>
      %dma_start3A = arith.constant 0 : i32
      %dma_start3A_133 = arith.constant 0 : i32
      %dma_start3A_134 = tpu.memref_slice %arg3[%add3A_84, %dma_start3A, %dma_start3A_133] : memref<4096x8x512xf32, #tpu.memory_space<hbm>> -> memref<16x8x512xf32, #tpu.memory_space<hbm>>
      %dma_start3A_135 = arith.constant 0 : i32
      %dma_start3A_136 = arith.constant 0 : i32
      %dma_start3A_137 = tpu.memref_slice %arg3[%add3A_84, %dma_start3A_135, %dma_start3A_136] : memref<4096x8x512xf32, #tpu.memory_space<hbm>> -> memref<16x8x512xf32, #tpu.memory_space<hbm>>
      tpu.enqueue_dma source(%arg5 : memref<16x8x512xf32, #tpu.memory_space<vmem>>) target(%dma_start3A_137 : memref<16x8x512xf32, #tpu.memory_space<hbm>>) target_semaphore(%run_scoped3A : memref<!tpu.dma_semaphore, #tpu.memory_space<semaphore_mem>>)
      %dma_wait3A = arith.constant 0 : i32
      %dma_wait3A_138 = arith.constant 0 : i32
      %dma_wait3A_139 = tpu.memref_slice %arg3[%add3A_84, %dma_wait3A, %dma_wait3A_138] : memref<4096x8x512xf32, #tpu.memory_space<hbm>> -> memref<16x8x512xf32, #tpu.memory_space<hbm>>
      %dma_wait3A_140 = arith.constant 0 : i32
      %dma_wait3A_141 = arith.constant 0 : i32
      %dma_wait3A_142 = tpu.memref_slice %arg3[%add3A_84, %dma_wait3A_140, %dma_wait3A_141] : memref<4096x8x512xf32, #tpu.memory_space<hbm>> -> memref<16x8x512xf32, #tpu.memory_space<hbm>>
      tpu.wait_dma2 semaphore(%run_scoped3A : memref<!tpu.dma_semaphore, #tpu.memory_space<semaphore_mem>>) src(%arg5 : memref<16x8x512xf32, #tpu.memory_space<vmem>>) dst(%dma_wait3A_142 : memref<16x8x512xf32, #tpu.memory_space<hbm>>)
      tpu.yield
    }) : () -> ()
    tpu.vector_store_idx %arg5[%iota3A, %shift_right_logical3A_79, %and3A_82], %broadcast_in_dim3A_3 masked %lt3A_73 : memref<16x8x512xf32, #tpu.memory_space<vmem>>[vector<16xi32>, vector<16xi32>, vector<16xi32>], vector<16xf32>, vector<16xi1>
    %get3A_85 = arith.constant 80 : index
    %get3A_86 = tpu.vector_load %arg4[%get3A_85] {strides = array<i32>} : memref<128xi32, #tpu.memory_space<vmem>>, vector<16xi32>,
    %lt3A_87 = arith.constant 4096 : i32
    %lt3A_88 = vector.broadcast %lt3A_87 : i32 to vector<16xi32>
    %lt3A_89 = arith.cmpi slt, %get3A_86, %lt3A_88 : vector<16xi32>
    %jit3A_90 = arith.constant 0 : i32
    %broadcast_in_dim3A_91 = vector.broadcast %jit3A_90 : i32 to vector<16xi32>
    %select_n3A_92 = arith.select %lt3A_89, %get3A_86, %broadcast_in_dim3A_91 : vector<16xi1>, vector<16xi32>
    %shift_right_logical3A_93 = arith.constant 9 : i32
    %shift_right_logical3A_94 = vector.broadcast %shift_right_logical3A_93 : i32 to vector<16xi32>
    %shift_right_logical3A_95 = arith.shrui %select_n3A_92, %shift_right_logical3A_94 : vector<16xi32>
    %and3A_96 = arith.constant 511 : i32
    %and3A_97 = vector.broadcast %and3A_96 : i32 to vector<16xi32>
    %and3A_98 = arith.andi %select_n3A_92, %and3A_97 : vector<16xi32>
    tpu.vector_store_idx %arg5[%iota3A, %shift_right_logical3A_95, %and3A_98], %broadcast_in_dim3A_10 masked %lt3A_89 : memref<16x8x512xf32, #tpu.memory_space<vmem>>[vector<16xi32>, vector<16xi32>, vector<16xi32>], vector<16xf32>, vector<16xi1>
    %add3A_99 = arith.constant 80 : i32
    %add3A_100 = arith.addi %mul3A_2, %add3A_99 : i32
    "tpu.region"() ({
      %run_scoped3A = tpu.sem_alloc : memref<!tpu.dma_semaphore, #tpu.memory_space<semaphore_mem>>
      %dma_start3A = arith.constant 0 : i32
      %dma_start3A_133 = arith.constant 0 : i32
      %dma_start3A_134 = tpu.memref_slice %arg3[%add3A_100, %dma_start3A, %dma_start3A_133] : memref<4096x8x512xf32, #tpu.memory_space<hbm>> -> memref<16x8x512xf32, #tpu.memory_space<hbm>>
      %dma_start3A_135 = arith.constant 0 : i32
      %dma_start3A_136 = arith.constant 0 : i32
      %dma_start3A_137 = tpu.memref_slice %arg3[%add3A_100, %dma_start3A_135, %dma_start3A_136] : memref<4096x8x512xf32, #tpu.memory_space<hbm>> -> memref<16x8x512xf32, #tpu.memory_space<hbm>>
      tpu.enqueue_dma source(%arg5 : memref<16x8x512xf32, #tpu.memory_space<vmem>>) target(%dma_start3A_137 : memref<16x8x512xf32, #tpu.memory_space<hbm>>) target_semaphore(%run_scoped3A : memref<!tpu.dma_semaphore, #tpu.memory_space<semaphore_mem>>)
      %dma_wait3A = arith.constant 0 : i32
      %dma_wait3A_138 = arith.constant 0 : i32
      %dma_wait3A_139 = tpu.memref_slice %arg3[%add3A_100, %dma_wait3A, %dma_wait3A_138] : memref<4096x8x512xf32, #tpu.memory_space<hbm>> -> memref<16x8x512xf32, #tpu.memory_space<hbm>>
      %dma_wait3A_140 = arith.constant 0 : i32
      %dma_wait3A_141 = arith.constant 0 : i32
      %dma_wait3A_142 = tpu.memref_slice %arg3[%add3A_100, %dma_wait3A_140, %dma_wait3A_141] : memref<4096x8x512xf32, #tpu.memory_space<hbm>> -> memref<16x8x512xf32, #tpu.memory_space<hbm>>
      tpu.wait_dma2 semaphore(%run_scoped3A : memref<!tpu.dma_semaphore, #tpu.memory_space<semaphore_mem>>) src(%arg5 : memref<16x8x512xf32, #tpu.memory_space<vmem>>) dst(%dma_wait3A_142 : memref<16x8x512xf32, #tpu.memory_space<hbm>>)
      tpu.yield
    }) : () -> ()
    tpu.vector_store_idx %arg5[%iota3A, %shift_right_logical3A_95, %and3A_98], %broadcast_in_dim3A_3 masked %lt3A_89 : memref<16x8x512xf32, #tpu.memory_space<vmem>>[vector<16xi32>, vector<16xi32>, vector<16xi32>], vector<16xf32>, vector<16xi1>
    %get3A_101 = arith.constant 96 : index
    %get3A_102 = tpu.vector_load %arg4[%get3A_101] {strides = array<i32>} : memref<128xi32, #tpu.memory_space<vmem>>, vector<16xi32>,
    %lt3A_103 = arith.constant 4096 : i32
    %lt3A_104 = vector.broadcast %lt3A_103 : i32 to vector<16xi32>
    %lt3A_105 = arith.cmpi slt, %get3A_102, %lt3A_104 : vector<16xi32>
    %jit3A_106 = arith.constant 0 : i32
    %broadcast_in_dim3A_107 = vector.broadcast %jit3A_106 : i32 to vector<16xi32>
    %select_n3A_108 = arith.select %lt3A_105, %get3A_102, %broadcast_in_dim3A_107 : vector<16xi1>, vector<16xi32>
    %shift_right_logical3A_109 = arith.constant 9 : i32
    %shift_right_logical3A_110 = vector.broadcast %shift_right_logical3A_109 : i32 to vector<16xi32>
    %shift_right_logical3A_111 = arith.shrui %select_n3A_108, %shift_right_logical3A_110 : vector<16xi32>
    %and3A_112 = arith.constant 511 : i32
    %and3A_113 = vector.broadcast %and3A_112 : i32 to vector<16xi32>
    %and3A_114 = arith.andi %select_n3A_108, %and3A_113 : vector<16xi32>
    tpu.vector_store_idx %arg5[%iota3A, %shift_right_logical3A_111, %and3A_114], %broadcast_in_dim3A_10 masked %lt3A_105 : memref<16x8x512xf32, #tpu.memory_space<vmem>>[vector<16xi32>, vector<16xi32>, vector<16xi32>], vector<16xf32>, vector<16xi1>
    %add3A_115 = arith.constant 96 : i32
    %add3A_116 = arith.addi %mul3A_2, %add3A_115 : i32
    "tpu.region"() ({
      %run_scoped3A = tpu.sem_alloc : memref<!tpu.dma_semaphore, #tpu.memory_space<semaphore_mem>>
      %dma_start3A = arith.constant 0 : i32
      %dma_start3A_133 = arith.constant 0 : i32
      %dma_start3A_134 = tpu.memref_slice %arg3[%add3A_116, %dma_start3A, %dma_start3A_133] : memref<4096x8x512xf32, #tpu.memory_space<hbm>> -> memref<16x8x512xf32, #tpu.memory_space<hbm>>
      %dma_start3A_135 = arith.constant 0 : i32
      %dma_start3A_136 = arith.constant 0 : i32
      %dma_start3A_137 = tpu.memref_slice %arg3[%add3A_116, %dma_start3A_135, %dma_start3A_136] : memref<4096x8x512xf32, #tpu.memory_space<hbm>> -> memref<16x8x512xf32, #tpu.memory_space<hbm>>
      tpu.enqueue_dma source(%arg5 : memref<16x8x512xf32, #tpu.memory_space<vmem>>) target(%dma_start3A_137 : memref<16x8x512xf32, #tpu.memory_space<hbm>>) target_semaphore(%run_scoped3A : memref<!tpu.dma_semaphore, #tpu.memory_space<semaphore_mem>>)
      %dma_wait3A = arith.constant 0 : i32
      %dma_wait3A_138 = arith.constant 0 : i32
      %dma_wait3A_139 = tpu.memref_slice %arg3[%add3A_116, %dma_wait3A, %dma_wait3A_138] : memref<4096x8x512xf32, #tpu.memory_space<hbm>> -> memref<16x8x512xf32, #tpu.memory_space<hbm>>
      %dma_wait3A_140 = arith.constant 0 : i32
      %dma_wait3A_141 = arith.constant 0 : i32
      %dma_wait3A_142 = tpu.memref_slice %arg3[%add3A_116, %dma_wait3A_140, %dma_wait3A_141] : memref<4096x8x512xf32, #tpu.memory_space<hbm>> -> memref<16x8x512xf32, #tpu.memory_space<hbm>>
      tpu.wait_dma2 semaphore(%run_scoped3A : memref<!tpu.dma_semaphore, #tpu.memory_space<semaphore_mem>>) src(%arg5 : memref<16x8x512xf32, #tpu.memory_space<vmem>>) dst(%dma_wait3A_142 : memref<16x8x512xf32, #tpu.memory_space<hbm>>)
      tpu.yield
    }) : () -> ()
    tpu.vector_store_idx %arg5[%iota3A, %shift_right_logical3A_111, %and3A_114], %broadcast_in_dim3A_3 masked %lt3A_105 : memref<16x8x512xf32, #tpu.memory_space<vmem>>[vector<16xi32>, vector<16xi32>, vector<16xi32>], vector<16xf32>, vector<16xi1>
    %get3A_117 = arith.constant 112 : index
    %get3A_118 = tpu.vector_load %arg4[%get3A_117] {strides = array<i32>} : memref<128xi32, #tpu.memory_space<vmem>>, vector<16xi32>,
    %lt3A_119 = arith.constant 4096 : i32
    %lt3A_120 = vector.broadcast %lt3A_119 : i32 to vector<16xi32>
    %lt3A_121 = arith.cmpi slt, %get3A_118, %lt3A_120 : vector<16xi32>
    %jit3A_122 = arith.constant 0 : i32
    %broadcast_in_dim3A_123 = vector.broadcast %jit3A_122 : i32 to vector<16xi32>
    %select_n3A_124 = arith.select %lt3A_121, %get3A_118, %broadcast_in_dim3A_123 : vector<16xi1>, vector<16xi32>
    %shift_right_logical3A_125 = arith.constant 9 : i32
    %shift_right_logical3A_126 = vector.broadcast %shift_right_logical3A_125 : i32 to vector<16xi32>
    %shift_right_logical3A_127 = arith.shrui %select_n3A_124, %shift_right_logical3A_126 : vector<16xi32>
    %and3A_128 = arith.constant 511 : i32
    %and3A_129 = vector.broadcast %and3A_128 : i32 to vector<16xi32>
    %and3A_130 = arith.andi %select_n3A_124, %and3A_129 : vector<16xi32>
    tpu.vector_store_idx %arg5[%iota3A, %shift_right_logical3A_127, %and3A_130], %broadcast_in_dim3A_10 masked %lt3A_121 : memref<16x8x512xf32, #tpu.memory_space<vmem>>[vector<16xi32>, vector<16xi32>, vector<16xi32>], vector<16xf32>, vector<16xi1>
    %add3A_131 = arith.constant 112 : i32
    %add3A_132 = arith.addi %mul3A_2, %add3A_131 : i32
    "tpu.region"() ({
      %run_scoped3A = tpu.sem_alloc : memref<!tpu.dma_semaphore, #tpu.memory_space<semaphore_mem>>
      %dma_start3A = arith.constant 0 : i32
      %dma_start3A_133 = arith.constant 0 : i32
      %dma_start3A_134 = tpu.memref_slice %arg3[%add3A_132, %dma_start3A, %dma_start3A_133] : memref<4096x8x512xf32, #tpu.memory_space<hbm>> -> memref<16x8x512xf32, #tpu.memory_space<hbm>>
      %dma_start3A_135 = arith.constant 0 : i32
      %dma_start3A_136 = arith.constant 0 : i32
      %dma_start3A_137 = tpu.memref_slice %arg3[%add3A_132, %dma_start3A_135, %dma_start3A_136] : memref<4096x8x512xf32, #tpu.memory_space<hbm>> -> memref<16x8x512xf32, #tpu.memory_space<hbm>>
      tpu.enqueue_dma source(%arg5 : memref<16x8x512xf32, #tpu.memory_space<vmem>>) target(%dma_start3A_137 : memref<16x8x512xf32, #tpu.memory_space<hbm>>) target_semaphore(%run_scoped3A : memref<!tpu.dma_semaphore, #tpu.memory_space<semaphore_mem>>)
      %dma_wait3A = arith.constant 0 : i32
      %dma_wait3A_138 = arith.constant 0 : i32
      %dma_wait3A_139 = tpu.memref_slice %arg3[%add3A_132, %dma_wait3A, %dma_wait3A_138] : memref<4096x8x512xf32, #tpu.memory_space<hbm>> -> memref<16x8x512xf32, #tpu.memory_space<hbm>>
      %dma_wait3A_140 = arith.constant 0 : i32
      %dma_wait3A_141 = arith.constant 0 : i32
      %dma_wait3A_142 = tpu.memref_slice %arg3[%add3A_132, %dma_wait3A_140, %dma_wait3A_141] : memref<4096x8x512xf32, #tpu.memory_space<hbm>> -> memref<16x8x512xf32, #tpu.memory_space<hbm>>
      tpu.wait_dma2 semaphore(%run_scoped3A : memref<!tpu.dma_semaphore, #tpu.memory_space<semaphore_mem>>) src(%arg5 : memref<16x8x512xf32, #tpu.memory_space<vmem>>) dst(%dma_wait3A_142 : memref<16x8x512xf32, #tpu.memory_space<hbm>>)
      tpu.yield
    }) : () -> ()
    tpu.vector_store_idx %arg5[%iota3A, %shift_right_logical3A_127, %and3A_130], %broadcast_in_dim3A_3 masked %lt3A_121 : memref<16x8x512xf32, #tpu.memory_space<vmem>>[vector<16xi32>, vector<16xi32>, vector<16xi32>], vector<16xf32>, vector<16xi1>
    return
  }
}

module attributes {stable_mosaic.version = 14 : i64} {
  func.func @_router_body(%arg0: i32, %arg1: memref<512x1024xf32, #tpu.memory_space<vmem>>, %arg2: memref<8x1024xf32, #tpu.memory_space<vmem>>, %arg3: memref<1x8xi32, #tpu.memory_space<vmem>>, %arg4: memref<512x1xi32, #tpu.memory_space<vmem>>, %arg5: memref<512x8x512xi32, #tpu.memory_space<vmem>>, %arg6: memref<1x8xi32, #tpu.memory_space<vmem>>) attributes {dimension_semantics = [#tpu.dimension_semantics<arbitrary>], iteration_bounds = array<i64: 8>, scalar_prefetch = 0 : i64, scratch_operands = 1 : i64, tpu.core_type = #tpu.core_type<tc>, window_params = [{transform_indices = @transform_0, window_bounds = array<i64: 512, 1024>}, {pipeline_mode = #tpu.pipeline_mode<synchronous>, transform_indices = @transform_1, window_bounds = array<i64: 8, 1024>}, {pipeline_mode = #tpu.pipeline_mode<synchronous>, transform_indices = @transform_2, window_bounds = array<i64: 1, 8>}, {transform_indices = @transform_3, window_bounds = array<i64: 512, 1>}, {transform_indices = @transform_4, window_bounds = array<i64: 512, 8, 512>}]} {
    %eq3A = arith.constant 0 : i32
    %eq3A_0 = arith.cmpi eq, %arg0, %eq3A : i32
    %convert_element_type3A = arith.extui %eq3A_0 : i1 to i32
    %cond3A = arith.constant 0 : i32
    %cond3A_1 = arith.cmpi ne, %convert_element_type3A, %cond3A : i32
    scf.if %cond3A_1 {
      %broadcast_in_dim3A_176 = arith.constant 0 : i32
      %broadcast_in_dim3A_177 = vector.broadcast %broadcast_in_dim3A_176 : i32 to vector<1x8xi32>
      %swap3A_178 = arith.constant 0 : index
      %swap3A_179 = arith.constant 0 : index
      %swap3A_180 = vector.load %arg6[%swap3A_178, %swap3A_179] : memref<1x8xi32, #tpu.memory_space<vmem>>, vector<1x8xi32>
      tpu.vector_store %arg6[%swap3A_178, %swap3A_179], %broadcast_in_dim3A_177 {strides = array<i32>} : memref<1x8xi32, #tpu.memory_space<vmem>>, vector<1x8xi32>,
    } else {
    }
    %get3A = arith.constant 0 : index
    %get3A_2 = arith.constant 0 : index
    %get3A_3 = vector.load %arg1[%get3A, %get3A_2] : memref<512x1024xf32, #tpu.memory_space<vmem>>, vector<512x1024xf32>
    %get3A_4 = arith.constant 0 : index
    %get3A_5 = arith.constant 0 : index
    %get3A_6 = vector.load %arg2[%get3A_4, %get3A_5] : memref<8x1024xf32, #tpu.memory_space<vmem>>, vector<8x1024xf32>
    %dot_general3A = arith.constant dense<0.000000e+00> : vector<512x8xf32>
    %dot_general3A_7 = tpu.matmul %get3A_3, %get3A_6, %dot_general3A {dimension_numbers = #tpu.dot_dimension_numbers<[1], [1], [0], [0], [0, 0, 1, 0], [], []>, transpose_lhs_hint = false} : vector<512x1024xf32>, vector<8x1024xf32>, vector<512x8xf32> -> vector<512x8xf32>
    %iota3A = tpu.iota {dimensions = array<i32: 1>} : vector<512x8xi32>
    %reduce_max3A = arith.constant dense<0xFF800000> : vector<512xf32>
    %reduce_max3A_8 = vector.multi_reduction <maximumf>, %dot_general3A_7, %reduce_max3A [1] : vector<512x8xf32> to vector<512xf32>
    %broadcast_in_dim3A = vector.shape_cast %reduce_max3A_8 : vector<512xf32> to vector<512x1xf32>
    %eq3A_9 = vector.broadcast %broadcast_in_dim3A : vector<512x1xf32> to vector<512x8xf32>
    %eq3A_10 = arith.cmpf oeq, %dot_general3A_7, %eq3A_9 : vector<512x8xf32>
    %jit3A = arith.constant 8 : i32
    %broadcast_in_dim3A_11 = vector.broadcast %jit3A : i32 to vector<512x8xi32>
    %select_n3A = arith.select %eq3A_10, %iota3A, %broadcast_in_dim3A_11 : vector<512x8xi1>, vector<512x8xi32>
    %reduce_min3A = arith.constant dense<2147483647> : vector<512xi32>
    %reduce_min3A_12 = vector.multi_reduction <minsi>, %select_n3A, %reduce_min3A [1] : vector<512x8xi32> to vector<512xi32>
    %broadcast_in_dim3A_13 = vector.shape_cast %reduce_min3A_12 : vector<512xi32> to vector<512x1xi32>
    %eq3A_14 = vector.broadcast %broadcast_in_dim3A_13 : vector<512x1xi32> to vector<512x8xi32>
    %eq3A_15 = arith.cmpi eq, %iota3A, %eq3A_14 : vector<512x8xi32>
    %convert_element_type3A_16 = arith.extui %eq3A_15 : vector<512x8xi1> to vector<512x8xi32>
    %convert_element_type3A_17 = arith.sitofp %convert_element_type3A_16 : vector<512x8xi32> to vector<512x8xf32>
    %iota3A_18 = tpu.iota {dimensions = array<i32: 0>} : vector<512x512xi32>
    %iota3A_19 = tpu.iota {dimensions = array<i32: 1>} : vector<512x512xi32>
    %gt3A = arith.cmpi sgt, %iota3A_18, %iota3A_19 : vector<512x512xi32>
    %convert_element_type3A_20 = arith.extui %gt3A : vector<512x512xi1> to vector<512x512xi32>
    %convert_element_type3A_21 = arith.sitofp %convert_element_type3A_20 : vector<512x512xi32> to vector<512x512xf32>
    %dot_general3A_22 = arith.constant dense<0.000000e+00> : vector<512x8xf32>
    %dot_general3A_23 = tpu.matmul %convert_element_type3A_21, %convert_element_type3A_17, %dot_general3A_22 {dimension_numbers = #tpu.dot_dimension_numbers<[1], [0], [0], [1], [0, 0, 1, 1], [], []>, transpose_lhs_hint = false} : vector<512x512xf32>, vector<512x8xf32>, vector<512x8xf32> -> vector<512x8xf32>
    %convert_element_type3A_24 = arith.fptosi %dot_general3A_23 : vector<512x8xf32> to vector<512x8xi32>
    %get3A_25 = arith.constant 0 : index
    %get3A_26 = arith.constant 0 : index
    %get3A_27 = vector.load %arg6[%get3A_25, %get3A_26] : memref<1x8xi32, #tpu.memory_space<vmem>>, vector<1x8xi32>
    %convert_element_type3A_28 = arith.fptosi %convert_element_type3A_17 : vector<512x8xf32> to vector<512x8xi32>
    %eq3A_29 = arith.constant 1 : i32
    %eq3A_30 = vector.broadcast %eq3A_29 : i32 to vector<512x8xi32>
    %eq3A_31 = arith.cmpi eq, %convert_element_type3A_28, %eq3A_30 : vector<512x8xi32>
    %add3A = vector.broadcast %get3A_27 : vector<1x8xi32> to vector<512x8xi32>
    %add3A_32 = arith.addi %convert_element_type3A_24, %add3A : vector<512x8xi32>
    %jit3A_33 = arith.constant 0 : i32
    %broadcast_in_dim3A_34 = vector.broadcast %jit3A_33 : i32 to vector<512x8xi32>
    %select_n3A_35 = arith.select %eq3A_31, %add3A_32, %broadcast_in_dim3A_34 : vector<512x8xi1>, vector<512x8xi32>
    %reduce_sum3A = arith.constant dense<0> : vector<512xi32>
    %reduce_sum3A_36 = vector.multi_reduction <add>, %select_n3A_35, %reduce_sum3A [1] : vector<512x8xi32> to vector<512xi32>
    %broadcast_in_dim3A_37 = vector.shape_cast %reduce_sum3A_36 : vector<512xi32> to vector<512x1xi32>
    %reduce_sum3A_38 = arith.constant dense<0> : vector<8xi32>
    %reduce_sum3A_39 = vector.multi_reduction <add>, %convert_element_type3A_28, %reduce_sum3A_38 [0] : vector<512x8xi32> to vector<8xi32>
    %broadcast_in_dim3A_40 = vector.shape_cast %reduce_sum3A_39 : vector<8xi32> to vector<1x8xi32>
    %add3A_41 = arith.addi %get3A_27, %broadcast_in_dim3A_40 : vector<1x8xi32>
    %swap3A = arith.constant 0 : index
    %swap3A_42 = arith.constant 0 : index
    %swap3A_43 = vector.load %arg6[%swap3A, %swap3A_42] : memref<1x8xi32, #tpu.memory_space<vmem>>, vector<1x8xi32>
    tpu.vector_store %arg6[%swap3A, %swap3A_42], %add3A_41 {strides = array<i32>} : memref<1x8xi32, #tpu.memory_space<vmem>>, vector<1x8xi32>,
    %lt3A = arith.constant 512 : i32
    %lt3A_44 = vector.broadcast %lt3A : i32 to vector<512x1xi32>
    %lt3A_45 = arith.cmpi slt, %broadcast_in_dim3A_37, %lt3A_44 : vector<512x1xi32>
    %mul3A = arith.constant 512 : i32
    %mul3A_46 = vector.broadcast %mul3A : i32 to vector<512x1xi32>
    %mul3A_47 = arith.muli %broadcast_in_dim3A_13, %mul3A_46 : vector<512x1xi32>
    %add3A_48 = arith.addi %mul3A_47, %broadcast_in_dim3A_37 : vector<512x1xi32>
    %jit3A_49 = arith.constant 1073741824 : i32
    %broadcast_in_dim3A_50 = vector.broadcast %jit3A_49 : i32 to vector<512x1xi32>
    %select_n3A_51 = arith.select %lt3A_45, %add3A_48, %broadcast_in_dim3A_50 : vector<512x1xi1>, vector<512x1xi32>
    %swap3A_52 = arith.constant 0 : index
    %swap3A_53 = arith.constant 0 : index
    %swap3A_54 = vector.load %arg4[%swap3A_52, %swap3A_53] : memref<512x1xi32, #tpu.memory_space<vmem>>, vector<512x1xi32>
    tpu.vector_store %arg4[%swap3A_52, %swap3A_53], %select_n3A_51 {strides = array<i32>} : memref<512x1xi32, #tpu.memory_space<vmem>>, vector<512x1xi32>,
    %iota3A_55 = tpu.iota {dimensions = array<i32: 1>} : vector<512x512xi32>
    %eq3A_56 = vector.broadcast %broadcast_in_dim3A_37 : vector<512x1xi32> to vector<512x512xi32>
    %eq3A_57 = arith.cmpi eq, %iota3A_55, %eq3A_56 : vector<512x512xi32>
    %and3A = vector.broadcast %lt3A_45 : vector<512x1xi1> to vector<512x512xi1>
    %and3A_58 = arith.andi %eq3A_57, %and3A : vector<512x512xi1>
    %eq3A_59 = arith.constant 0 : i32
    %eq3A_60 = vector.broadcast %eq3A_59 : i32 to vector<512x1xi32>
    %eq3A_61 = arith.cmpi eq, %broadcast_in_dim3A_13, %eq3A_60 : vector<512x1xi32>
    %and3A_62 = vector.broadcast %eq3A_61 : vector<512x1xi1> to vector<512x512xi1>
    %and3A_63 = arith.andi %and3A_58, %and3A_62 : vector<512x512xi1>
    %swap3A_64 = arith.constant 0 : index
    %swap3A_65 = arith.constant 0 : index
    %swap3A_66 = arith.constant 0 : index
    %swap3A_67 = vector.load %arg5[%swap3A_64, %swap3A_65, %swap3A_66] : memref<512x8x512xi32, #tpu.memory_space<vmem>>, vector<512x1x512xi32>
    %swap3A_68 = arith.extui %and3A_63 : vector<512x512xi1> to vector<512x512xi32>
    %swap3A_69 = vector.shape_cast %swap3A_67 : vector<512x1x512xi32> to vector<512x512xi32>
    %swap3A_70 = vector.shape_cast %swap3A_68 : vector<512x512xi32> to vector<512x1x512xi32>
    %swap3A_71 = arith.constant dense<0> : vector<512x512xi32>
    %swap3A_72 = arith.cmpi ne, %swap3A_69, %swap3A_71 : vector<512x512xi32>
    tpu.vector_store %arg5[%swap3A_64, %swap3A_65, %swap3A_66], %swap3A_70 {strides = array<i32>} : memref<512x8x512xi32, #tpu.memory_space<vmem>>, vector<512x1x512xi32>,
    %eq3A_73 = arith.constant 1 : i32
    %eq3A_74 = vector.broadcast %eq3A_73 : i32 to vector<512x1xi32>
    %eq3A_75 = arith.cmpi eq, %broadcast_in_dim3A_13, %eq3A_74 : vector<512x1xi32>
    %and3A_76 = vector.broadcast %eq3A_75 : vector<512x1xi1> to vector<512x512xi1>
    %and3A_77 = arith.andi %and3A_58, %and3A_76 : vector<512x512xi1>
    %swap3A_78 = arith.constant 0 : index
    %swap3A_79 = arith.constant 1 : index
    %swap3A_80 = arith.constant 0 : index
    %swap3A_81 = vector.load %arg5[%swap3A_78, %swap3A_79, %swap3A_80] : memref<512x8x512xi32, #tpu.memory_space<vmem>>, vector<512x1x512xi32>
    %swap3A_82 = arith.extui %and3A_77 : vector<512x512xi1> to vector<512x512xi32>
    %swap3A_83 = vector.shape_cast %swap3A_81 : vector<512x1x512xi32> to vector<512x512xi32>
    %swap3A_84 = vector.shape_cast %swap3A_82 : vector<512x512xi32> to vector<512x1x512xi32>
    %swap3A_85 = arith.constant dense<0> : vector<512x512xi32>
    %swap3A_86 = arith.cmpi ne, %swap3A_83, %swap3A_85 : vector<512x512xi32>
    tpu.vector_store %arg5[%swap3A_78, %swap3A_79, %swap3A_80], %swap3A_84 {strides = array<i32>} : memref<512x8x512xi32, #tpu.memory_space<vmem>>, vector<512x1x512xi32>,
    %eq3A_87 = arith.constant 2 : i32
    %eq3A_88 = vector.broadcast %eq3A_87 : i32 to vector<512x1xi32>
    %eq3A_89 = arith.cmpi eq, %broadcast_in_dim3A_13, %eq3A_88 : vector<512x1xi32>
    %and3A_90 = vector.broadcast %eq3A_89 : vector<512x1xi1> to vector<512x512xi1>
    %and3A_91 = arith.andi %and3A_58, %and3A_90 : vector<512x512xi1>
    %swap3A_92 = arith.constant 0 : index
    %swap3A_93 = arith.constant 2 : index
    %swap3A_94 = arith.constant 0 : index
    %swap3A_95 = vector.load %arg5[%swap3A_92, %swap3A_93, %swap3A_94] : memref<512x8x512xi32, #tpu.memory_space<vmem>>, vector<512x1x512xi32>
    %swap3A_96 = arith.extui %and3A_91 : vector<512x512xi1> to vector<512x512xi32>
    %swap3A_97 = vector.shape_cast %swap3A_95 : vector<512x1x512xi32> to vector<512x512xi32>
    %swap3A_98 = vector.shape_cast %swap3A_96 : vector<512x512xi32> to vector<512x1x512xi32>
    %swap3A_99 = arith.constant dense<0> : vector<512x512xi32>
    %swap3A_100 = arith.cmpi ne, %swap3A_97, %swap3A_99 : vector<512x512xi32>
    tpu.vector_store %arg5[%swap3A_92, %swap3A_93, %swap3A_94], %swap3A_98 {strides = array<i32>} : memref<512x8x512xi32, #tpu.memory_space<vmem>>, vector<512x1x512xi32>,
    %eq3A_101 = arith.constant 3 : i32
    %eq3A_102 = vector.broadcast %eq3A_101 : i32 to vector<512x1xi32>
    %eq3A_103 = arith.cmpi eq, %broadcast_in_dim3A_13, %eq3A_102 : vector<512x1xi32>
    %and3A_104 = vector.broadcast %eq3A_103 : vector<512x1xi1> to vector<512x512xi1>
    %and3A_105 = arith.andi %and3A_58, %and3A_104 : vector<512x512xi1>
    %swap3A_106 = arith.constant 0 : index
    %swap3A_107 = arith.constant 3 : index
    %swap3A_108 = arith.constant 0 : index
    %swap3A_109 = vector.load %arg5[%swap3A_106, %swap3A_107, %swap3A_108] : memref<512x8x512xi32, #tpu.memory_space<vmem>>, vector<512x1x512xi32>
    %swap3A_110 = arith.extui %and3A_105 : vector<512x512xi1> to vector<512x512xi32>
    %swap3A_111 = vector.shape_cast %swap3A_109 : vector<512x1x512xi32> to vector<512x512xi32>
    %swap3A_112 = vector.shape_cast %swap3A_110 : vector<512x512xi32> to vector<512x1x512xi32>
    %swap3A_113 = arith.constant dense<0> : vector<512x512xi32>
    %swap3A_114 = arith.cmpi ne, %swap3A_111, %swap3A_113 : vector<512x512xi32>
    tpu.vector_store %arg5[%swap3A_106, %swap3A_107, %swap3A_108], %swap3A_112 {strides = array<i32>} : memref<512x8x512xi32, #tpu.memory_space<vmem>>, vector<512x1x512xi32>,
    %eq3A_115 = arith.constant 4 : i32
    %eq3A_116 = vector.broadcast %eq3A_115 : i32 to vector<512x1xi32>
    %eq3A_117 = arith.cmpi eq, %broadcast_in_dim3A_13, %eq3A_116 : vector<512x1xi32>
    %and3A_118 = vector.broadcast %eq3A_117 : vector<512x1xi1> to vector<512x512xi1>
    %and3A_119 = arith.andi %and3A_58, %and3A_118 : vector<512x512xi1>
    %swap3A_120 = arith.constant 0 : index
    %swap3A_121 = arith.constant 4 : index
    %swap3A_122 = arith.constant 0 : index
    %swap3A_123 = vector.load %arg5[%swap3A_120, %swap3A_121, %swap3A_122] : memref<512x8x512xi32, #tpu.memory_space<vmem>>, vector<512x1x512xi32>
    %swap3A_124 = arith.extui %and3A_119 : vector<512x512xi1> to vector<512x512xi32>
    %swap3A_125 = vector.shape_cast %swap3A_123 : vector<512x1x512xi32> to vector<512x512xi32>
    %swap3A_126 = vector.shape_cast %swap3A_124 : vector<512x512xi32> to vector<512x1x512xi32>
    %swap3A_127 = arith.constant dense<0> : vector<512x512xi32>
    %swap3A_128 = arith.cmpi ne, %swap3A_125, %swap3A_127 : vector<512x512xi32>
    tpu.vector_store %arg5[%swap3A_120, %swap3A_121, %swap3A_122], %swap3A_126 {strides = array<i32>} : memref<512x8x512xi32, #tpu.memory_space<vmem>>, vector<512x1x512xi32>,
    %eq3A_129 = arith.constant 5 : i32
    %eq3A_130 = vector.broadcast %eq3A_129 : i32 to vector<512x1xi32>
    %eq3A_131 = arith.cmpi eq, %broadcast_in_dim3A_13, %eq3A_130 : vector<512x1xi32>
    %and3A_132 = vector.broadcast %eq3A_131 : vector<512x1xi1> to vector<512x512xi1>
    %and3A_133 = arith.andi %and3A_58, %and3A_132 : vector<512x512xi1>
    %swap3A_134 = arith.constant 0 : index
    %swap3A_135 = arith.constant 5 : index
    %swap3A_136 = arith.constant 0 : index
    %swap3A_137 = vector.load %arg5[%swap3A_134, %swap3A_135, %swap3A_136] : memref<512x8x512xi32, #tpu.memory_space<vmem>>, vector<512x1x512xi32>
    %swap3A_138 = arith.extui %and3A_133 : vector<512x512xi1> to vector<512x512xi32>
    %swap3A_139 = vector.shape_cast %swap3A_137 : vector<512x1x512xi32> to vector<512x512xi32>
    %swap3A_140 = vector.shape_cast %swap3A_138 : vector<512x512xi32> to vector<512x1x512xi32>
    %swap3A_141 = arith.constant dense<0> : vector<512x512xi32>
    %swap3A_142 = arith.cmpi ne, %swap3A_139, %swap3A_141 : vector<512x512xi32>
    tpu.vector_store %arg5[%swap3A_134, %swap3A_135, %swap3A_136], %swap3A_140 {strides = array<i32>} : memref<512x8x512xi32, #tpu.memory_space<vmem>>, vector<512x1x512xi32>,
    %eq3A_143 = arith.constant 6 : i32
    %eq3A_144 = vector.broadcast %eq3A_143 : i32 to vector<512x1xi32>
    %eq3A_145 = arith.cmpi eq, %broadcast_in_dim3A_13, %eq3A_144 : vector<512x1xi32>
    %and3A_146 = vector.broadcast %eq3A_145 : vector<512x1xi1> to vector<512x512xi1>
    %and3A_147 = arith.andi %and3A_58, %and3A_146 : vector<512x512xi1>
    %swap3A_148 = arith.constant 0 : index
    %swap3A_149 = arith.constant 6 : index
    %swap3A_150 = arith.constant 0 : index
    %swap3A_151 = vector.load %arg5[%swap3A_148, %swap3A_149, %swap3A_150] : memref<512x8x512xi32, #tpu.memory_space<vmem>>, vector<512x1x512xi32>
    %swap3A_152 = arith.extui %and3A_147 : vector<512x512xi1> to vector<512x512xi32>
    %swap3A_153 = vector.shape_cast %swap3A_151 : vector<512x1x512xi32> to vector<512x512xi32>
    %swap3A_154 = vector.shape_cast %swap3A_152 : vector<512x512xi32> to vector<512x1x512xi32>
    %swap3A_155 = arith.constant dense<0> : vector<512x512xi32>
    %swap3A_156 = arith.cmpi ne, %swap3A_153, %swap3A_155 : vector<512x512xi32>
    tpu.vector_store %arg5[%swap3A_148, %swap3A_149, %swap3A_150], %swap3A_154 {strides = array<i32>} : memref<512x8x512xi32, #tpu.memory_space<vmem>>, vector<512x1x512xi32>,
    %eq3A_157 = arith.constant 7 : i32
    %eq3A_158 = vector.broadcast %eq3A_157 : i32 to vector<512x1xi32>
    %eq3A_159 = arith.cmpi eq, %broadcast_in_dim3A_13, %eq3A_158 : vector<512x1xi32>
    %and3A_160 = vector.broadcast %eq3A_159 : vector<512x1xi1> to vector<512x512xi1>
    %and3A_161 = arith.andi %and3A_58, %and3A_160 : vector<512x512xi1>
    %swap3A_162 = arith.constant 0 : index
    %swap3A_163 = arith.constant 7 : index
    %swap3A_164 = arith.constant 0 : index
    %swap3A_165 = vector.load %arg5[%swap3A_162, %swap3A_163, %swap3A_164] : memref<512x8x512xi32, #tpu.memory_space<vmem>>, vector<512x1x512xi32>
    %swap3A_166 = arith.extui %and3A_161 : vector<512x512xi1> to vector<512x512xi32>
    %swap3A_167 = vector.shape_cast %swap3A_165 : vector<512x1x512xi32> to vector<512x512xi32>
    %swap3A_168 = vector.shape_cast %swap3A_166 : vector<512x512xi32> to vector<512x1x512xi32>
    %swap3A_169 = arith.constant dense<0> : vector<512x512xi32>
    %swap3A_170 = arith.cmpi ne, %swap3A_167, %swap3A_169 : vector<512x512xi32>
    tpu.vector_store %arg5[%swap3A_162, %swap3A_163, %swap3A_164], %swap3A_168 {strides = array<i32>} : memref<512x8x512xi32, #tpu.memory_space<vmem>>, vector<512x1x512xi32>,
    %eq3A_171 = arith.constant 7 : i32
    %eq3A_172 = arith.cmpi eq, %arg0, %eq3A_171 : i32
    %convert_element_type3A_173 = arith.extui %eq3A_172 : i1 to i32
    %cond3A_174 = arith.constant 0 : i32
    %cond3A_175 = arith.cmpi ne, %convert_element_type3A_173, %cond3A_174 : i32
    scf.if %cond3A_175 {
      %get3A_176 = arith.constant 0 : index
      %get3A_177 = arith.constant 0 : index
      %get3A_178 = vector.load %arg6[%get3A_176, %get3A_177] : memref<1x8xi32, #tpu.memory_space<vmem>>, vector<1x8xi32>
      %min3A = arith.constant 512 : i32
      %min3A_179 = vector.broadcast %min3A : i32 to vector<1x8xi32>
      %min3A_180 = arith.minsi %get3A_178, %min3A_179 : vector<1x8xi32>
      %swap3A_181 = arith.constant 0 : index
      %swap3A_182 = arith.constant 0 : index
      %swap3A_183 = vector.load %arg3[%swap3A_181, %swap3A_182] : memref<1x8xi32, #tpu.memory_space<vmem>>, vector<1x8xi32>
      tpu.vector_store %arg3[%swap3A_181, %swap3A_182], %min3A_180 {strides = array<i32>} : memref<1x8xi32, #tpu.memory_space<vmem>>, vector<1x8xi32>,
    } else {
    }
    return
  }
  func.func @transform_0(%arg0: i32) -> (i32, i32) {
    %c0_i32 = arith.constant 0 : i32
    %c0_i32_0 = arith.constant 0 : i32
    return %arg0, %c0_i32 : i32, i32
  }
  func.func @transform_1(%arg0: i32) -> (i32, i32) {
    %c0_i32 = arith.constant 0 : i32
    %c0_i32_0 = arith.constant 0 : i32
    %c0_i32_1 = arith.constant 0 : i32
    return %c0_i32, %c0_i32_0 : i32, i32
  }
  func.func @transform_2(%arg0: i32) -> (i32, i32) {
    %c0_i32 = arith.constant 0 : i32
    %c0_i32_0 = arith.constant 0 : i32
    %c0_i32_1 = arith.constant 0 : i32
    return %c0_i32, %c0_i32_0 : i32, i32
  }
  func.func @transform_3(%arg0: i32) -> (i32, i32) {
    %c0_i32 = arith.constant 0 : i32
    %c0_i32_0 = arith.constant 0 : i32
    return %arg0, %c0_i32 : i32, i32
  }
  func.func @transform_4(%arg0: i32) -> (i32, i32, i32) {
    %c0_i32 = arith.constant 0 : i32
    %c0_i32_0 = arith.constant 0 : i32
    %c0_i32_1 = arith.constant 0 : i32
    return %arg0, %c0_i32, %c0_i32_0 : i32, i32, i32
  }
}

</mosaic_0001>

<sc_bundles>
// kernel: kernel.4.cloned.1.call-start
scs
__scs_entry_jumppad:
0x0: {  	(pc) =	sbr.rel $0x88, $3  }
0x1: {  	(tag) =	ssettag $0x0;
	lr =	simm.s32 $0x1  }
0x2: {  	[smem:$0x3F9F] =	sst lr;
	_ =	strace $0xD0000000  }
0x3: {  	_ = 	snop  }
0x4: {  	_ = 	snop  }
0x5: {  	_ = 	snop  }
0x6: {  	_ = 	snop  }
0x7: {  	_ = 	snop  }
__scs_overlays_trampoline_lowered:
0x8: {  	[smem:$0x3FAE] =	sst s0  }
0x9: {  	[smem:$0x3FAF] =	sst s1  }
0xa: {  	[smem:$0x3FB0] =	sst s2  }
0xb: {  	[smem:$0x3FB1] =	sst s3  }
0xc: {  	[smem:$0x3FB2] =	sst s4  }
0xd: {  	[smem:$0x3FB3] =	sst s5  }
0xe: {  	[smem:$0x3FB4] =	sst s6  }
0xf: {  	[smem:$0x3FB5] =	sst s7  }
0x10: {  	[smem:$0x3FB6] =	sst s8  }
0x11: {  	[smem:$0x3FB7] =	sst s9;
	s0 =	simm.s32 @!p0 $0x0  }
0x12: {  	s1 =	sld [smem:$0x3F9D];
	s0 =	simm.s32 @p0 $0x1  }
0x13: {  	[smem:$0x3FB8] =	sst s0;
	s0 =	simm.s32 @!p1 $0x0  }
0x14: {  	s2 =	sld [smem:$0x3F9C];
	s0 =	simm.s32 @p1 $0x1  }
0x15: {  	[smem:$0x3FB9] =	sst s0;
	s0 =	simm.s32 @!p2 $0x0  }
0x16: {  	s3 =	sld [smem:$0x3FDB];
	s0 =	simm.s32 @p2 $0x1  }
0x17: {  	s4 =	simm.s32 $0x1BF5;
	[smem:$0x3FBB] =	sst s0  }
0x18: {  	s0 =	sld [smem:$0x3F9E];
	_ =	swait.ge [sflag:s4], $0x0  }
0x19: {  	s7 =	sld [smem:$0x3F9F]  }
0x1a: {  	s8 =	sadd.s32 $0xFFFFE003, lr  }
0x1b: {  	s9 =	sadd.s32 $0xFFFFFEF7, lr;
	s5 =	simm.s32 $0xFFFFFFFF;
	p2 =	slt.u32 s8, $0xFFFFF086  }
0x1c: {  	p1 =	slt.u32 s9, $0xF7A;
	s5 =	simm.s32 @!p2 $0x0  }
0x1d: {  	s5 =	simm.s32 @p1 $0x1;
	p0 =	seq.s32 s7, s2  }
0x1e: {  	s7 =	smul.u32 @!p0 $0xF7A, s2;
	p2 =	seq.s32 @!p0 s5, $0x0  }
0x1f: {  	s9 =	smul.u32 $0xF7A, s1;
	s8 =	simm.s32 @!p0 $0x1BF5;
	p2 =	por !p2, p0  }
0x20: {  	[sflag:s8] =	ssyncset.s32 @!p0 $0xFFFFF086;
	s6 =	sadd.s32 @!p0 s3, s7;
	s7 =	simm.s32 @!p0 $0x108  }
0x21: {  	s3 =	sadd.s32 s3, s9;
	s6 =	sadd.s32 @!p0 $0x88, s6;
	s7 =	simm.s32 @p2 $0x1082  }
0x22: {  	[simem:s7], [sflag:s8] =	dma.local @!p0 [hbm:s6], $0xF7A  }
0x23: {  	s9 =	sor.u32 $0xD0000000, s2;
	s6 =	simm.s32 $0x108;
	_ =	swait.ge @!p0 [sflag:s8], $0x0  }
0x24: {  	s3 =	sadd.s32 $0x88, s3;
	s6 =	simm.s32 @!p1 $0x1082;
	[sflag:s4] =	ssyncset.s32 $0xFFFFF086  }
0x25: {  	[simem:s6], [sflag:s4] =	dma.local [hbm:s3], $0xF7A  }
0x26: {  	[smem:$0x3F9F] =	sst s1;
	(tag) =	ssettag s2;
	_ =	strace s9  }
0x27: {  	s1 =	sld [smem:$0x3FAF]  }
0x28: {  	s2 =	sld [smem:$0x3FB0]  }
0x29: {  	s4 =	sld [smem:$0x3FB2]  }
0x2a: {  	p0 =	seq.s32 s5, $0x0;
	s5 =	sld [smem:$0x3FB3]  }
0x2b: {  	s6 =	sld [smem:$0x3FB4]  }
0x2c: {  	s7 =	sld [smem:$0x3FB5]  }
0x2d: {  	s3 =	simm.s32 $0x108;
	s8 =	sld [smem:$0x3FB6]  }
0x2e: {  	s3 =	simm.s32 @!p0 $0x1082;
	s9 =	sld [smem:$0x3FB7]  }
0x2f: {  	lr =	sadd.s32 s0, s3;
	s0 =	sld [smem:$0x3FAE]  }
0x30: {  	s3 =	sld [smem:$0x3FB1]  }
0x31: {  	[smem:$0x3FBA] =	sst s10  }
0x32: {  	s10 =	sld [smem:$0x3FB8];
	_ =	sdelay $0x3  }
0x33: {  	p0 =	seq.s32 s10, $0x1;
	s10 =	sld [smem:$0x3FBA];
	_ =	sdelay $0x3  }
0x34: {  	[smem:$0x3FBA] =	sst s10  }
0x35: {  	s10 =	sld [smem:$0x3FB9];
	_ =	sdelay $0x3  }
0x36: {  	p1 =	seq.s32 s10, $0x1;
	s10 =	sld [smem:$0x3FBA];
	_ =	sdelay $0x3  }
0x37: {  	[smem:$0x3FBA] =	sst s10  }
0x38: {  	s10 =	sld [smem:$0x3FBB]  }
0x39: {  	_ = 	snop;
	(pc) =	sbr.ind lr, $3  }
0x3a: {  	_ = 	snop  }
0x3b: {  	_ = 	snop  }
0x3c: {  	p2 =	seq.s32 s10, $0x1;
	s10 =	sld [smem:$0x3FBA]  }
0x3d: {  	_ =	shalt  }
0x3e: {  	_ =	shalt  }
0x3f: {  	_ =	shalt  }
0x40: {  	_ =	shalt  }
0x41: {  	_ =	shalt  }
0x42: {  	_ =	shalt  }
0x43: {  	_ =	shalt  }
0x44: {  	_ =	shalt  }
0x45: {  	_ =	shalt  }
0x46: {  	_ =	shalt  }
0x47: {  	_ =	shalt  }
0x48: {  	_ =	shalt  }
0x49: {  	_ =	shalt  }
0x4a: {  	_ =	shalt  }
0x4b: {  	_ =	shalt  }
0x4c: {  	_ =	shalt  }
0x4d: {  	_ =	shalt  }
0x4e: {  	_ =	shalt  }
0x4f: {  	_ =	shalt  }
0x50: {  	_ =	shalt  }
0x51: {  	_ =	shalt  }
0x52: {  	_ =	shalt  }
0x53: {  	_ =	shalt  }
0x54: {  	_ =	shalt  }
0x55: {  	_ =	shalt  }
0x56: {  	_ =	shalt  }
0x57: {  	_ =	shalt  }
0x58: {  	_ =	shalt  }
0x59: {  	_ =	shalt  }
0x5a: {  	_ =	shalt  }
0x5b: {  	_ =	shalt  }
0x5c: {  	_ =	shalt  }
0x5d: {  	_ =	shalt  }
0x5e: {  	_ =	shalt  }
0x5f: {  	_ =	shalt  }
0x60: {  	_ =	shalt  }
0x61: {  	_ =	shalt  }
0x62: {  	_ =	shalt  }
0x63: {  	_ =	shalt  }
0x64: {  	_ =	shalt  }
0x65: {  	_ =	shalt  }
0x66: {  	_ =	shalt  }
0x67: {  	_ =	shalt  }
0x68: {  	_ =	shalt  }
0x69: {  	_ =	shalt  }
0x6a: {  	_ =	shalt  }
0x6b: {  	_ =	shalt  }
0x6c: {  	_ =	shalt  }
0x6d: {  	_ =	shalt  }
0x6e: {  	_ =	shalt  }
0x6f: {  	_ =	shalt  }
0x70: {  	_ =	shalt  }
0x71: {  	_ =	shalt  }
0x72: {  	_ =	shalt  }
0x73: {  	_ =	shalt  }
0x74: {  	_ =	shalt  }
0x75: {  	_ =	shalt  }
0x76: {  	_ =	shalt  }
0x77: {  	_ =	shalt  }
0x78: {  	_ =	shalt  }
0x79: {  	_ =	shalt  }
0x7a: {  	_ =	shalt  }
0x7b: {  	_ =	shalt  }
0x7c: {  	_ =	shalt  }
0x7d: {  	_ =	shalt  }
0x7e: {  	_ =	shalt  }
0x7f: {  	_ =	shalt  }
0x80: {  	_ =	shalt  }
0x81: {  	_ =	shalt  }
0x82: {  	_ =	shalt  }
0x83: {  	_ =	shalt  }
0x84: {  	_ =	shalt  }
0x85: {  	_ =	shalt  }
0x86: {  	_ =	shalt  }
0x87: {  	_ =	shalt  }
.Lfunc_end0:
.L_simem_size_0:
called_computation_lowered:
.L_overlay_start_0:
0x88: {  	s2 =	sld [smem:$0x3FD9]  }
0x89: {  	s3 =	sld [smem:$0x3FFE];
	_ =	sdelay $0x1  }
0x8a: {  	s1 =	srdreg.scid  }
0x8b: {  	s0 =	sand.u32 $0x1, s1  }
0x8c: {  	s14 =	sshll.u32 s0, $0xA;
	s2 =	sadd.s32 s3, s2  }
0x8d: {  	s2 =	sadd.s32 s2, s14  }
0x8e: {  	[smem:$0x3FC6] =	sst s2  }
0x8f: {  	_ = 	snop  }
0x90: {  	s2 =	sld [smem:$0x3FD0];
	_ =	sdelay $0x2  }
0x91: {  	s15 =	simm.s32 $0xA;
	s4 =	simm.s32 $0x10  }
0x92: {  	[smem:s4], [sflag:s15] =	dma.local [hbm:s2], $0x1  }
0x93: {  	_ =	swait.eq [sflag:s15], $0x1  }
0x94: {  	[sflag:s15] =	ssyncset.done $0x0  }
0x95: {  	[sflag:s15] =	ssyncadd.s32 $0xFFFFFFFF  }
0x96: {  	s16 =	sld [smem:$0x11];
	(tm) =	ssettm $0x1  }
0x97: {  	s17 =	sld [smem:$0x3FFB];
	_ =	sdelay $0x3  }
0x98: {  	_ =	strace s17  }
0x99: {  	s3 =	sld [smem:$0x3FFC];
	_ =	sdelay $0x3  }
0x9a: {  	_ =	strace s3  }
0x9b: {  	s3 =	sld [smem:$0x3FFD];
	_ =	sdelay $0x3  }
0x9c: {  	_ =	strace s3  }
0x9d: {  	_ =	strace $0x8FFFFFFF  }
0x9e: {  	s18 =	sld [smem:$0x3FDB];
	_ =	sdelay $0x1  }
0x9f: {  	s19 =	simm.s32 $_scs_section_size  }
0xa0: {  	s5 =	simm.s32 $_size__tile_overlayer_lowered;
	s6 =	simm.s32 $_tile_overlayer_lowered  }
0xa1: {  	s22 =	simm.s32 $0x1BFF;
	s21 =	sshll.u32 s6, $0x1;
	s3 =	sadd.s32 s19, s18  }
0xa2: {  	s7 =	simm.s32 $0x0;
	s20 =	sshll.u32 s5, $0x1;
	s5 =	sadd.s32 s21, s3  }
0xa3: {  	[timem:s7], [sflag:s22] =	dma.local [hbm:s5], s20  }
0xa4: {  	_ =	swait.ge [sflag:s22], s20  }
0xa5: {  	s4 =	ssub.s32 $0x0, s20;
	[sflag:s22] =	ssyncset.done $0x0  }
0xa6: {  	[sflag:s22] =	ssyncadd.s32 s4;
	_ =	sdelay $0x1  }
0xa7: {  	s23 =	simm.s32 $0x1B8B  }
0xa8: {  	_ =	swait.ge [sflag:s23], $0x1  }
0xa9: {  	[sflag:s23] =	ssyncset.done $0x0  }
0xaa: {  	s25 =	simm.s32 $0x1B8E;
	s24 =	sld [smem:$0x3FFE];
	[sflag:s23] =	ssyncadd.s32 $0xFFFFFFFF  }
0xab: {  	s26 =	simm.s32 $execute0_lowered;
	[smem:$0x3FD2] =	sst s25  }
0xac: {  	s5 =	sshll.u32 s26, $0x1;
	_ =	strace $0x80000046;
	[dreg:$0x1] =	wrdreg $0xFFFFFFFF  }
0xad: {  	s28 =	simm.s32 $_size_execute0_lowered;
	s3 =	sadd.s32 s3, s5;
	[dreg:$0x0] =	wrdreg $0x0  }
0xae: {  	s5 =	sshll.u32 s28, $0x1;
	[dreg:$0x2] =	wrdreg s3  }
0xaf: {  	[dreg:$0x3] =	wrdreg s5  }
0xb0: {  	[dreg:$0x4] =	wrdreg $0xC0  }
0xb1: {  	_ =	task [dreg:s7], $0x5FFFF  }
0xb2: {  	[dreg:$0x1] =	wrdreg $0xFFFFFFFF  }
0xb3: {  	[dreg:$0x0] =	wrdreg $0x60  }
0xb4: {  	[dreg:$0x2] =	wrdreg s24  }
0xb5: {  	[dreg:$0x3] =	wrdreg s16  }
0xb6: {  	[dreg:$0x4] =	wrdreg $0x9  }
0xb7: {  	_ =	task.clear_ibuf [dreg:s7], $0x5FFFF;
	_ =	strace $0x90000046  }
0xb8: {  	s29 =	simm.s32 $0x9;
	_ =	strace $0x80000048  }
0xb9: {  	_ =	swait.ge [sflag:s29], $0x1  }
0xba: {  	[sflag:s29] =	ssyncadd.s32 $0xFFFFFFFF  }
0xbb: {  	_ =	strace $0x90000048  }
0xbc: {  	_ =	sfence  }
0xbd: {  	s30 =	sld [smem:$0x0];
	_ =	sdelay $0x2  }
0xbe: {  	s31 =	sshll.u32 s1, $0xD;
	s1 =	sshrl.u32 s1, $0x2  }
0xbf: {  	s3 =	sand.u32 $0x4000, s31;
	s1 =	sadd.s32 s1, s30  }
0xc0: {  	s0 =	sor.u32 s3, s0;
	s1 =	sshll.u32 s1, $0x11  }
0xc1: {  	s0 =	sor.u32 s1, s0  }
0xc2: {  	s0 =	sadd.s32 $0x8F2B, s0  }
0xc3: {  	[sflag:s0] =	ssyncadd.remote.s32 $0x1  }
0xc4: {  	_ =	sfence.sel $0xFFFF  }
0xc5: {  	[dreg:$0x0] =	wrdreg $0xFFFFFFFF;
	(pc) =	sbr.abs _section_cstart, $3  }
0xc6: {  	[dreg:$0x1] =	wrdreg $0xFFFFFFFF  }
0xc7: {  	_ =	task.clear_ibuf [dreg:s7], $0x2FFFF;
	_ =	strace $0x9FFFFFFF  }
0xc8: {  	(tm) =	ssettm $0x7FFFFFFF  }
0xc9: {  	_ =	shalt  }
tec
execute0_lowered:
.L_overlay_start_1:
0x0: {  	(tag) =	ssettag $0x1  }
0x1: {  	s3 =	rddreg [dreg:$0x0]  }
0x2: {  	s4 =	rddreg [dreg:$0x1]  }
0x3: {  	s0 =	rddreg [dreg:$0x2];
	s5 =	srdreg.scid  }
0x4: {  	s2 =	simm.s32 $0x0;
	s1 =	stileid.u32;
	s13 =	simm.s32 $0x1  }
0x5: {  	s14 =	simm.s32 $0x80;
	s15 =	simm.s32 $0x0;
	s5 =	sand.u32 $0x1, s5  }
0x6: {  	[smem:$0x7FF] =	sst s2;
	s6 =	sshll.u32 s1, $0x8;
	s7 =	sshll.u32 s5, $0x7  }
0x7: {  	_ =	strace $0x80000047;
	s5 =	ssub.s32 $0x2, s5;
	s6 =	sor.u32 s7, s6  }
0x8: {  	s8 =	sshrl.u32 s5, $0x1;
	s7 =	sshrl.u32 s6, $0x3;
	s6 =	sshll.u32 s6, $0x9  }
0x9: {  	s12 =	ssub.s32 s5, s8;
	s7 =	sadd.s32 s7, s3;
	s3 =	sadd.s32 s4, s6  }
0xa: {  	s12 =	smax.u32 s12, $0x1;
	s4 =	sadd.s32 $0x200600, s7;
	s5 =	sadd.s32 $0x2000, s3  }
0xb: {  	v1 =	vlaneseq.u32;
	s6 =	sadd.s32 $0x4000, s3;
	s7 =	sadd.s32 $0x6000, s3;
	s8 =	sadd.s32 $0x8000, s3  }
0xc: {  	v0 =	vimm.f32 $0.0e+00;
	v2 =	vimm.f32 $1.000000000e+00;
	v1 =	vmul.u32 $0x1000, v1;
	s9 =	sadd.s32 $0xA000, s3;
	s10 =	sadd.s32 $0xC000, s3;
	s11 =	sadd.s32 $0xE000, s3  }
.LBB2_1:
0xd: {  	[tilespmem:s2], [sflag:$0x1] =	stream.linear.gather [hbm4b:s4+s2], $0x80, $0x38;
	[tilespmem:$0x10080] =	vst v63  }
0xe: {  	s16 =	sand.u32 $0xF000, s2;
	s17 =	sand.u32 $0xC00, s2  }
0xf: {  	s18 =	sand.u32 $0x380, s2;
	_ =	swait.ge [sflag:s13], $0x80;
	s16 =	sor.u32 s17, s16  }
0x10: {  	s31 =	sand.u32 $0x70, s2;
	[sflag:s13] =	ssyncset.done $0x0;
	s16 =	sor.u32 s16, s18  }
0x11: {  	[sflag:s13] =	ssyncadd.s32 $0xFFFFFF80;
	s17 =	sor.u32 s31, s16  }
0x12: {  	s18 =	simm.s32 $0x0;
	s16 =	simm.s32 $0x10;
	[tilespmem:s17+$0x80] =	vst v0;
	s17 =	simm.s32 $0x0  }
.LBB2_2:
0x13: {  	s19 =	sand.u32 $0xF000, s16;
	s17 =	sadd.s32 $0x4, s17  }
0x14: {  	s18 =	sadd.s32 $0x80, s18;
	s20 =	smov.u32 s16;
	p0 =	sne.s32 s16, $0xFFF0  }
.Ltmp0:
0x15: {  	s16 =	sadd.s32 $0x10, s16;
	s21 =	sand.u32 $0xC00, s18;
	(pc) =	sbr.rel @p0 .LBB2_2-.Ltmp0, $4  }
0x16: {  	s22 =	sand.u32 $0x380, s17;
	s19 =	sor.u32 s21, s19  }
0x17: {  	s20 =	sand.u32 $0x70, s20;
	s19 =	sor.u32 s19, s22  }
0x18: {  	s19 =	sor.u32 s20, s19  }
0x19: {  	[tilespmem:s19+$0x80] =	vst v0  }
0x1a: {  	v3 =	vld [tilespmem:$0x0];
	_ =	sdelay $0x4  }
0x1b: {  	vm0 =	vlt.s32 v3, $0x1000  }
0x1c: {  	v3 =	vnsel vm0, $0x0, v3  }
0x1d: {  	v4 =	vshll.u32 v3, $0x3  }
0x1e: {  	v5 =	vand.u32 $0xFFFFF000, v3;
	v6 =	vshrl.u32 v3, $0x2;
	v4 =	vand.u32 $0xC00, v4  }
0x1f: {  	v35 =	vand.u32 $0x380, v6;
	v4 =	vor.u32 v4, v5  }
0x20: {  	v3 =	vand.u32 $0x7F, v3;
	v4 =	vor.u32 v35, v4  }
0x21: {  	v3 =	vor.u32 v3, v4  }
0x22: {  	v3 =	vadd.s32 v1, v3;
	_ =	sdelay $0x4  }
0x23: {  	[tilespmem:v3+s14+$0x0] =	vst.idx.msk vm0, v2  }
0x24: {  	[hbm4b:s3+s2] =	stream.linear.scatter [tilespmem:s14], [sflag:$0x1], $0x10000, $0x38;
	[tilespmem:$0x10080] =	vst v63  }
0x25: {  	_ =	swait.ge [sflag:s13], $0x10000  }
0x26: {  	[sflag:s13] =	ssyncset.done $0x0  }
0x27: {  	[sflag:s13] =	ssyncadd.s32 $0xFFFF0000  }
0x28: {  	[tilespmem:v3+s14+$0x0] =	vst.idx.msk vm0, v0  }
0x29: {  	v3 =	vld [tilespmem:$0x10];
	_ =	sdelay $0x4  }
0x2a: {  	vm9 =	vlt.s32 v3, $0x1000  }
0x2b: {  	v3 =	vnsel vm9, $0x0, v3  }
0x2c: {  	v36 =	vshll.u32 v3, $0x3  }
0x2d: {  	v37 =	vand.u32 $0xFFFFF000, v3;
	v38 =	vshrl.u32 v3, $0x2;
	v4 =	vand.u32 $0xC00, v36  }
0x2e: {  	v39 =	vand.u32 $0x380, v38;
	v4 =	vor.u32 v4, v37  }
0x2f: {  	v3 =	vand.u32 $0x7F, v3;
	v4 =	vor.u32 v39, v4  }
0x30: {  	v3 =	vor.u32 v3, v4  }
0x31: {  	v3 =	vadd.s32 v1, v3;
	_ =	sdelay $0x4  }
0x32: {  	[tilespmem:v3+s14+$0x0] =	vst.idx.msk vm9, v2  }
0x33: {  	[hbm4b:s5+s2] =	stream.linear.scatter [tilespmem:s14], [sflag:$0x1], $0x10000, $0x38;
	[tilespmem:$0x10080] =	vst v63  }
0x34: {  	_ =	swait.ge [sflag:s13], $0x10000  }
0x35: {  	[sflag:s13] =	ssyncset.done $0x0  }
0x36: {  	[sflag:s13] =	ssyncadd.s32 $0xFFFF0000  }
0x37: {  	[tilespmem:v3+s14+$0x0] =	vst.idx.msk vm9, v0  }
0x38: {  	v3 =	vld [tilespmem:$0x20];
	_ =	sdelay $0x4  }
0x39: {  	vm10 =	vlt.s32 v3, $0x1000  }
0x3a: {  	v3 =	vnsel vm10, $0x0, v3  }
0x3b: {  	v40 =	vshll.u32 v3, $0x3  }
0x3c: {  	v41 =	vand.u32 $0xFFFFF000, v3;
	v42 =	vshrl.u32 v3, $0x2;
	v4 =	vand.u32 $0xC00, v40  }
0x3d: {  	v43 =	vand.u32 $0x380, v42;
	v4 =	vor.u32 v4, v41  }
0x3e: {  	v3 =	vand.u32 $0x7F, v3;
	v4 =	vor.u32 v43, v4  }
0x3f: {  	v3 =	vor.u32 v3, v4  }
0x40: {  	v3 =	vadd.s32 v1, v3;
	_ =	sdelay $0x4  }
0x41: {  	[tilespmem:v3+s14+$0x0] =	vst.idx.msk vm10, v2  }
0x42: {  	[hbm4b:s6+s2] =	stream.linear.scatter [tilespmem:s14], [sflag:$0x1], $0x10000, $0x38;
	[tilespmem:$0x10080] =	vst v63  }
0x43: {  	_ =	swait.ge [sflag:s13], $0x10000  }
0x44: {  	[sflag:s13] =	ssyncset.done $0x0  }
0x45: {  	[sflag:s13] =	ssyncadd.s32 $0xFFFF0000  }
0x46: {  	[tilespmem:v3+s14+$0x0] =	vst.idx.msk vm10, v0  }
0x47: {  	v3 =	vld [tilespmem:$0x30];
	_ =	sdelay $0x4  }
0x48: {  	vm11 =	vlt.s32 v3, $0x1000  }
0x49: {  	v3 =	vnsel vm11, $0x0, v3  }
0x4a: {  	v44 =	vshll.u32 v3, $0x3  }
0x4b: {  	v45 =	vand.u32 $0xFFFFF000, v3;
	v46 =	vshrl.u32 v3, $0x2;
	v4 =	vand.u32 $0xC00, v44  }
0x4c: {  	v47 =	vand.u32 $0x380, v46;
	v4 =	vor.u32 v4, v45  }
0x4d: {  	v3 =	vand.u32 $0x7F, v3;
	v4 =	vor.u32 v47, v4  }
0x4e: {  	v3 =	vor.u32 v3, v4  }
0x4f: {  	v3 =	vadd.s32 v1, v3;
	_ =	sdelay $0x4  }
0x50: {  	[tilespmem:v3+s14+$0x0] =	vst.idx.msk vm11, v2  }
0x51: {  	[hbm4b:s7+s2] =	stream.linear.scatter [tilespmem:s14], [sflag:$0x1], $0x10000, $0x38;
	[tilespmem:$0x10080] =	vst v63  }
0x52: {  	_ =	swait.ge [sflag:s13], $0x10000  }
0x53: {  	[sflag:s13] =	ssyncset.done $0x0  }
0x54: {  	[sflag:s13] =	ssyncadd.s32 $0xFFFF0000  }
0x55: {  	[tilespmem:v3+s14+$0x0] =	vst.idx.msk vm11, v0  }
0x56: {  	v3 =	vld [tilespmem:$0x40];
	_ =	sdelay $0x4  }
0x57: {  	vm12 =	vlt.s32 v3, $0x1000  }
0x58: {  	v3 =	vnsel vm12, $0x0, v3  }
0x59: {  	v48 =	vshll.u32 v3, $0x3  }
0x5a: {  	v49 =	vand.u32 $0xFFFFF000, v3;
	v50 =	vshrl.u32 v3, $0x2;
	v4 =	vand.u32 $0xC00, v48  }
0x5b: {  	v51 =	vand.u32 $0x380, v50;
	v4 =	vor.u32 v4, v49  }
0x5c: {  	v3 =	vand.u32 $0x7F, v3;
	v4 =	vor.u32 v51, v4  }
0x5d: {  	v3 =	vor.u32 v3, v4  }
0x5e: {  	v3 =	vadd.s32 v1, v3;
	_ =	sdelay $0x4  }
0x5f: {  	[tilespmem:v3+s14+$0x0] =	vst.idx.msk vm12, v2  }
0x60: {  	[hbm4b:s8+s2] =	stream.linear.scatter [tilespmem:s14], [sflag:$0x1], $0x10000, $0x38;
	[tilespmem:$0x10080] =	vst v63  }
0x61: {  	_ =	swait.ge [sflag:s13], $0x10000  }
0x62: {  	[sflag:s13] =	ssyncset.done $0x0  }
0x63: {  	[sflag:s13] =	ssyncadd.s32 $0xFFFF0000  }
0x64: {  	[tilespmem:v3+s14+$0x0] =	vst.idx.msk vm12, v0  }
0x65: {  	v3 =	vld [tilespmem:$0x50];
	_ =	sdelay $0x4  }
0x66: {  	vm13 =	vlt.s32 v3, $0x1000  }
0x67: {  	v3 =	vnsel vm13, $0x0, v3  }
0x68: {  	v52 =	vshll.u32 v3, $0x3  }
0x69: {  	v53 =	vand.u32 $0xFFFFF000, v3;
	v54 =	vshrl.u32 v3, $0x2;
	v4 =	vand.u32 $0xC00, v52  }
0x6a: {  	v55 =	vand.u32 $0x380, v54;
	v4 =	vor.u32 v4, v53  }
0x6b: {  	v3 =	vand.u32 $0x7F, v3;
	v4 =	vor.u32 v55, v4  }
0x6c: {  	v3 =	vor.u32 v3, v4  }
0x6d: {  	v3 =	vadd.s32 v1, v3;
	_ =	sdelay $0x4  }
0x6e: {  	[tilespmem:v3+s14+$0x0] =	vst.idx.msk vm13, v2  }
0x6f: {  	[hbm4b:s9+s2] =	stream.linear.scatter [tilespmem:s14], [sflag:$0x1], $0x10000, $0x38;
	[tilespmem:$0x10080] =	vst v63  }
0x70: {  	_ =	swait.ge [sflag:s13], $0x10000  }
0x71: {  	[sflag:s13] =	ssyncset.done $0x0  }
0x72: {  	[sflag:s13] =	ssyncadd.s32 $0xFFFF0000  }
0x73: {  	[tilespmem:v3+s14+$0x0] =	vst.idx.msk vm13, v0  }
0x74: {  	v3 =	vld [tilespmem:$0x60];
	_ =	sdelay $0x4  }
0x75: {  	vm14 =	vlt.s32 v3, $0x1000  }
0x76: {  	v3 =	vnsel vm14, $0x0, v3  }
0x77: {  	v56 =	vshll.u32 v3, $0x3  }
0x78: {  	v57 =	vand.u32 $0xFFFFF000, v3;
	v58 =	vshrl.u32 v3, $0x2;
	v4 =	vand.u32 $0xC00, v56  }
0x79: {  	v59 =	vand.u32 $0x380, v58;
	v4 =	vor.u32 v4, v57  }
0x7a: {  	v3 =	vand.u32 $0x7F, v3;
	v4 =	vor.u32 v59, v4  }
0x7b: {  	v3 =	vor.u32 v3, v4  }
0x7c: {  	v3 =	vadd.s32 v1, v3;
	_ =	sdelay $0x4  }
0x7d: {  	[tilespmem:v3+s14+$0x0] =	vst.idx.msk vm14, v2  }
0x7e: {  	[hbm4b:s10+s2] =	stream.linear.scatter [tilespmem:s14], [sflag:$0x1], $0x10000, $0x38;
	[tilespmem:$0x10080] =	vst v63  }
0x7f: {  	_ =	swait.ge [sflag:s13], $0x10000  }
0x80: {  	[sflag:s13] =	ssyncset.done $0x0  }
0x81: {  	[sflag:s13] =	ssyncadd.s32 $0xFFFF0000  }
0x82: {  	[tilespmem:v3+s14+$0x0] =	vst.idx.msk vm14, v0  }
0x83: {  	v3 =	vld [tilespmem:$0x70];
	_ =	sdelay $0x4  }
0x84: {  	vm15 =	vlt.s32 v3, $0x1000  }
0x85: {  	v3 =	vnsel vm15, $0x0, v3  }
0x86: {  	v60 =	vshll.u32 v3, $0x3  }
0x87: {  	v61 =	vand.u32 $0xFFFFF000, v3;
	v62 =	vshrl.u32 v3, $0x2;
	v4 =	vand.u32 $0xC00, v60  }
0x88: {  	v63 =	vand.u32 $0x380, v62;
	v4 =	vor.u32 v4, v61  }
0x89: {  	v3 =	vand.u32 $0x7F, v3;
	v4 =	vor.u32 v63, v4  }
0x8a: {  	v3 =	vor.u32 v3, v4  }
0x8b: {  	v3 =	vadd.s32 v1, v3;
	_ =	sdelay $0x3  }
0x8c: {  	s15 =	sadd.s32 $0x1, s15  }
0x8d: {  	p0 =	sne.s32 s15, s12;
	[tilespmem:v3+s14+$0x0] =	vst.idx.msk vm15, v2  }
0x8e: {  	[hbm4b:s11+s2] =	stream.linear.scatter [tilespmem:s14], [sflag:$0x1], $0x10000, $0x38;
	[tilespmem:$0x10080] =	vst v63  }
.Ltmp1:
0x8f: {  	_ = 	snop;
	(pc) =	sbr.rel @p0 .LBB2_1-.Ltmp1, $4  }
0x90: {  	_ =	swait.ge [sflag:s13], $0x10000  }
0x91: {  	[sflag:s13] =	ssyncset.done $0x0  }
0x92: {  	[sflag:s13] =	ssyncadd.s32 $0xFFFF0000  }
0x93: {  	[tilespmem:v3+s14+$0x0] =	vst.idx.msk vm15, v0  }
0x94: {  	_ =	sfence.sel $0x180000  }
0x95: {  	[bflag:$0x0] =	sbarrier.arrive $0xFFFF  }
0x96: {  	p0 =	sne.s32 s1, $0x0;
	_ =	strace $0x90000047  }
0x97: {  	s0 =	sadd.s32 @!p0 $0x100000, s0;
	[bflag:$0x2] =	sbarrier.arrive $0xFFFF  }
0x98: {  	[sflag:s0] =	ssyncadd.tile.s32 @!p0 $0x1;
	_ =	shalt  }
.Lfunc_end2:
_tile_overlayer_lowered:
.L_overlay_start_2:
0x99: {  	(tag) =	ssettag $0x2  }
0x9a: {  	s0 =	rddreg [dreg:$0x0];
	s2 =	stileid.u32  }
0x9b: {  	s1 =	rddreg [dreg:$0x1];
	p0 =	sne.s32 s2, $0x0  }
0x9c: {  	s3 =	rddreg [dreg:$0x2];
	[bflag:$0x3] =	sbarrier.arrive $0xFFFF;
	s2 =	simm.s32 @!p0 $0x1C01  }
0x9d: {  	[timem:s3], [sflag:s2] =	dma.local @!p0 [hbm:s0], s1  }
0x9e: {  	s0 =	simm.s32 @!p0 $0x1  }
0x9f: {  	_ =	swait.ge @!p0 [sflag:s0], s1  }
0xa0: {  	s1 =	ssub.s32 @!p0 $0x0, s1;
	[sflag:s0] =	ssyncset.done @!p0 $0x0  }
0xa1: {  	[sflag:s0] =	ssyncadd.s32 @!p0 s1  }
0xa2: {  	[bflag:$0x3] =	sbarrier.arrive $0xFFFF  }
0xa3: {  	_ =	shalt  }

</sc_bundles>
